<compile_context>
chip_gen: v7x
topology: tpu7x:2x2x1
jax: 0.10.2.dev20260603
libtpu: 0.0.44.dev20260713+nightly
codegen_flags: <defaults>
</compile_context>

<pallas_src>
import functools

import jax
import jax.numpy as jnp
from jax import lax
from jax.experimental import pallas as pl
from jax.experimental.pallas import tpu as pltpu
from jax.experimental.pallas import tpu_sc as plsc

B = 1024
S = 200
H = 128
TOK = B * S

NC = 2
NS = 16
NW = NC * NS
CH = 128

_MESH = plsc.VectorSubcoreMesh(core_axis_name="c", subcore_axis_name="s")


def _sc_gather(table, idx3):
    nch = idx3.shape[1]
    cpw = nch * CH
    tok = NW * cpw

    nbuf = 5
    assert nch >= nbuf and (nch - nbuf) % nbuf == 0

    @functools.partial(
        pl.kernel,
        mesh=_MESH,
        out_type=jax.ShapeDtypeStruct((tok, H), jnp.float32),
        scratch_types=(
            [pltpu.VMEM((nch, CH), jnp.int32)]
            + [pltpu.VMEM((CH, H), jnp.float32) for _ in range(nbuf)]
            + [pltpu.SemaphoreType.DMA, pltpu.SemaphoreType.DMA]
        ),
    )
    def k(table_hbm, idx_hbm, out_hbm, idx_v, *rest):
        rows = rest[:nbuf]
        sg, sw = rest[nbuf], rest[nbuf + 1]
        NCH = nch
        wid = lax.axis_index("s") * NC + lax.axis_index("c")
        base = wid * cpw
        pltpu.sync_copy(idx_hbm.at[wid], idx_v)

        def out_at(j):
            return out_hbm.at[pl.ds(base + j * CH, CH)]

        cg = [pltpu.async_copy(table_hbm.at[idx_v.at[b]], rows[b], sg)
              for b in range(nbuf)]
        for b in range(nbuf):
            cg[b].wait()
            pltpu.async_copy(rows[b], out_at(b), sw)

        @pl.loop(nbuf, NCH, step=nbuf)
        def _(j):
            c = []
            for b in range(nbuf):
                pltpu.make_async_copy(rows[b], out_at(j - nbuf + b), sw).wait()
                c.append(pltpu.async_copy(
                    table_hbm.at[idx_v.at[j + b]], rows[b], sg))
            for b in range(nbuf):
                c[b].wait()
                pltpu.async_copy(rows[b], out_at(j + b), sw)

        for b in range(nbuf):
            pltpu.make_async_copy(rows[b], out_at(NCH - nbuf + b), sw).wait()

    return k(table, idx3)


def _ln_body(g_ref, tt_ref, pc0_ref, dt_ref, gam_ref, bet_ref, jm_ref,
             o_ref):
    ones_row = jnp.ones((1, H), dtype=jnp.bfloat16)
    ttm = lax.dot_general(tt_ref[...], ones_row,
                          (((0,), (0,)), ((), ())),
                          preferred_element_type=jnp.float32)
    x = g_ref[...] + pc0_ref[...] + ttm * dt_ref[...]
    xb = x.astype(jnp.bfloat16)
    jm = jm_ref[...]
    mu = jnp.dot(xb, jm, preferred_element_type=jnp.float32)
    msq = jnp.dot(xb * xb, jm, preferred_element_type=jnp.float32)
    inv = lax.rsqrt(msq - mu * mu + 1e-5)
    o_ref[...] = (((x - mu) * inv) * gam_ref[...]) + bet_ref[...]


_RB = 16
_TBLK = _RB * S


def _ln_call(g2, ttrow, pc0t, dt2, gam2, bet2, jm):
    ntok = g2.shape[0]
    grid = (ntok // _TBLK,)
    return pl.pallas_call(
        _ln_body,
        grid=grid,
        in_specs=[
            pl.BlockSpec((_TBLK, H), lambda i: (i, 0)),
            pl.BlockSpec((1, _TBLK), lambda i: (0, i)),
            pl.BlockSpec((_TBLK, H), lambda i: (0, 0)),
            pl.BlockSpec((1, H), lambda i: (0, 0)),
            pl.BlockSpec((1, H), lambda i: (0, 0)),
            pl.BlockSpec((1, H), lambda i: (0, 0)),
            pl.BlockSpec((H, H), lambda i: (0, 0)),
        ],
        out_specs=pl.BlockSpec((_TBLK, H), lambda i: (i, 0)),
        out_shape=jax.ShapeDtypeStruct((ntok, H), jnp.float32),
    )(g2, ttrow, pc0t, dt2, gam2, bet2, jm)


def kernel(input_ids, token_type_ids, token_embedding, pos_embedding,
           type_embedding, ln_gamma, ln_beta):
    pc0t = jnp.tile(pos_embedding[:S] + type_embedding[0], (_RB, 1))
    dt2 = (type_embedding[1] - type_embedding[0]).reshape(1, H)
    gam2 = ln_gamma.reshape(1, H)
    bet2 = ln_beta.reshape(1, H)
    idx3 = input_ids.astype(jnp.int32).reshape(NW, TOK // (NW * CH), CH)
    ttrow = token_type_ids.astype(jnp.bfloat16).reshape(1, TOK)
    jm = jnp.full((H, H), 1.0 / H, dtype=jnp.bfloat16)
    gathered = _sc_gather(token_embedding, idx3)
    out2 = _ln_call(gathered, ttrow, pc0t, dt2, gam2, bet2, jm)
    return out2.reshape(B, S, H)

# --- scband reference (transcript-rebuilt; emitter-appended) ---
"""Pipeline reference for scband-bert-embedding-39221641347315 (READ-ONLY COPY).

The authoritative reference and input builder live on the scoring server;
editing this copy changes nothing except your own understanding.
"""

import jax, jax.numpy as jnp
import numpy as np

VOCAB = 100000
HIDDEN = 128
MAX_POS = 512
TYPE_VOCAB = 2
B, S = 1024, 200

def setup_inputs(seed: int = 0) -> dict:
    key = jax.random.key(seed)
    ks = jax.random.split(key, 6)
    input_ids = jax.random.randint(ks[0], (B, S), 0, VOCAB, dtype=jnp.int64 if jax.config.jax_enable_x64 else jnp.int32)
    token_type_ids = jax.random.randint(ks[1], (B, S), 0, TYPE_VOCAB, dtype=jnp.int64 if jax.config.jax_enable_x64 else jnp.int32)
    token_embedding = jax.random.normal(ks[2], (VOCAB, HIDDEN), dtype=jnp.float32) * 0.02
    pos_embedding = jax.random.normal(ks[3], (MAX_POS, HIDDEN), dtype=jnp.float32) * 0.02
    type_embedding = jax.random.normal(ks[4], (TYPE_VOCAB, HIDDEN), dtype=jnp.float32) * 0.02
    ln_gamma = jnp.ones((HIDDEN,), dtype=jnp.float32)
    ln_beta = jnp.zeros((HIDDEN,), dtype=jnp.float32)
    return {"input_ids": input_ids, "token_type_ids": token_type_ids,
            "token_embedding": token_embedding, "pos_embedding": pos_embedding,
            "type_embedding": type_embedding, "ln_gamma": ln_gamma, "ln_beta": ln_beta}

def _layer_norm(x, gamma, beta, eps=1e-5):
    mu = jnp.mean(x, axis=-1, keepdims=True)
    var = jnp.mean((x - mu) ** 2, axis=-1, keepdims=True)
    return (x - mu) / jnp.sqrt(var + eps) * gamma + beta

def reference(input_ids, token_type_ids, token_embedding, pos_embedding, type_embedding, ln_gamma, ln_beta):
    b, n = input_ids.shape
    position = jnp.arange(n, dtype=input_ids.dtype)
    position = jnp.broadcast_to(position[None, :], (b, n))
    out = (jnp.take(token_embedding, input_ids, axis=0)
           + jnp.take(type_embedding, token_type_ids, axis=0)
           + jnp.take(pos_embedding, position, axis=0))
    # dropout p=0.0 -> identity
    return _layer_norm(out, ln_gamma, ln_beta)

if __name__ == "__main__":
    import jax
    _d = setup_inputs()
    print(jax.jit(kernel)(*tuple(_d.values())))

</pallas_src>

<mosaic_0001>
#map = affine_map<(d0, d1) -> (0, 0)>
#map1 = affine_map<(d0, d1) -> (0, 0, 0)>
module attributes {stable_mosaic.version = 14 : i64} {
  func.func @k(%arg0: i32, %arg1: i32, %arg2: memref<100000x128xf32, #tpu.memory_space<hbm>>, %arg3: memref<32x50x128xi32, #tpu.memory_space<hbm>>, %arg4: memref<204800x128xf32, #tpu.memory_space<hbm>>, %arg5: memref<50x128xi32, #tpu.memory_space<vmem>>, %arg6: memref<128x128xf32, #tpu.memory_space<vmem>>, %arg7: memref<128x128xf32, #tpu.memory_space<vmem>>, %arg8: memref<128x128xf32, #tpu.memory_space<vmem>>, %arg9: memref<128x128xf32, #tpu.memory_space<vmem>>, %arg10: memref<128x128xf32, #tpu.memory_space<vmem>>, %arg11: memref<!tpu.dma_semaphore, #tpu.memory_space<semaphore_mem>>, %arg12: memref<!tpu.dma_semaphore, #tpu.memory_space<semaphore_mem>>) attributes {dimension_semantics = [#tpu.dimension_semantics<core_parallel>, #tpu.dimension_semantics<subcore_parallel>], iteration_bounds = array<i64: 2, 16>, scalar_prefetch = 0 : i64, scratch_operands = 8 : i64, tpu.core_type = #tpu.core_type<sc_vector_subcore>, window_params = [{transform_indices = #map}, {transform_indices = #map1}, {transform_indices = #map}]} {
    %mul3A = arith.constant 2 : i32
    %mul3A_0 = arith.muli %arg1, %mul3A : i32
    %add3A = arith.addi %mul3A_0, %arg0 : i32
    %mul3A_1 = arith.constant 6400 : i32
    %mul3A_2 = arith.muli %add3A, %mul3A_1 : i32
    "tpu.region"() ({
      %run_scoped3A = tpu.sem_alloc : memref<!tpu.dma_semaphore, #tpu.memory_space<semaphore_mem>>
      %dma_start3A_135 = arith.constant 0 : i32
      %dma_start3A_136 = arith.constant 0 : i32
      %dma_start3A_137 = tpu.memref_slice %arg3[%add3A, %dma_start3A_135, %dma_start3A_136] : memref<32x50x128xi32, #tpu.memory_space<hbm>> -> memref<1x50x128xi32, #tpu.memory_space<hbm>>
      %dma_start3A_138 = tpu.memref_squeeze %dma_start3A_137 : memref<1x50x128xi32, #tpu.memory_space<hbm>> -> memref<50x128xi32, #tpu.memory_space<hbm>>
      %dma_start3A_139 = arith.constant 0 : i32
      %dma_start3A_140 = arith.constant 0 : i32
      %dma_start3A_141 = tpu.memref_slice %arg3[%add3A, %dma_start3A_139, %dma_start3A_140] : memref<32x50x128xi32, #tpu.memory_space<hbm>> -> memref<1x50x128xi32, #tpu.memory_space<hbm>>
      %dma_start3A_142 = tpu.memref_squeeze %dma_start3A_141 : memref<1x50x128xi32, #tpu.memory_space<hbm>> -> memref<50x128xi32, #tpu.memory_space<hbm>>
      tpu.enqueue_dma source(%dma_start3A_142 : memref<50x128xi32, #tpu.memory_space<hbm>>) target(%arg5 : memref<50x128xi32, #tpu.memory_space<vmem>>) target_semaphore(%run_scoped3A : memref<!tpu.dma_semaphore, #tpu.memory_space<semaphore_mem>>)
      %dma_wait3A_143 = arith.constant 0 : i32
      %dma_wait3A_144 = arith.constant 0 : i32
      %dma_wait3A_145 = tpu.memref_slice %arg3[%add3A, %dma_wait3A_143, %dma_wait3A_144] : memref<32x50x128xi32, #tpu.memory_space<hbm>> -> memref<1x50x128xi32, #tpu.memory_space<hbm>>
      %dma_wait3A_146 = tpu.memref_squeeze %dma_wait3A_145 : memref<1x50x128xi32, #tpu.memory_space<hbm>> -> memref<50x128xi32, #tpu.memory_space<hbm>>
      %dma_wait3A_147 = arith.constant 0 : i32
      %dma_wait3A_148 = arith.constant 0 : i32
      %dma_wait3A_149 = tpu.memref_slice %arg3[%add3A, %dma_wait3A_147, %dma_wait3A_148] : memref<32x50x128xi32, #tpu.memory_space<hbm>> -> memref<1x50x128xi32, #tpu.memory_space<hbm>>
      %dma_wait3A_150 = tpu.memref_squeeze %dma_wait3A_149 : memref<1x50x128xi32, #tpu.memory_space<hbm>> -> memref<50x128xi32, #tpu.memory_space<hbm>>
      tpu.wait_dma2 semaphore(%run_scoped3A : memref<!tpu.dma_semaphore, #tpu.memory_space<semaphore_mem>>) src(%dma_wait3A_150 : memref<50x128xi32, #tpu.memory_space<hbm>>) dst(%arg5 : memref<50x128xi32, #tpu.memory_space<vmem>>)
      tpu.yield
    }) : () -> ()
    %dma_start3A = arith.constant 0 : i32
    %dma_start3A_3 = arith.constant 0 : i32
    %dma_start3A_4 = tpu.memref_slice %arg5[%dma_start3A, %dma_start3A_3] : memref<50x128xi32, #tpu.memory_space<vmem>> -> memref<1x128xi32, #tpu.memory_space<vmem>>
    %dma_start3A_5 = tpu.memref_squeeze %dma_start3A_4 : memref<1x128xi32, #tpu.memory_space<vmem>> -> memref<128xi32, #tpu.memory_space<vmem>>
    %dma_start3A_6 = arith.constant 0 : i32
    %dma_start3A_7 = arith.constant 0 : i32
    %dma_start3A_8 = tpu.memref_slice %arg2[%dma_start3A_6, %dma_start3A_7] : memref<100000x128xf32, #tpu.memory_space<hbm>> -> memref<100000x128xf32, #tpu.memory_space<hbm>>
    tpu.enqueue_indirect_dma source(%dma_start3A_8 : memref<100000x128xf32, #tpu.memory_space<hbm>>) target(%arg6 : memref<128x128xf32, #tpu.memory_space<vmem>>) offsets(%dma_start3A_5 : memref<128xi32, #tpu.memory_space<vmem>>) semaphore(%arg11 : memref<!tpu.dma_semaphore, #tpu.memory_space<semaphore_mem>>)
    %dma_start3A_9 = arith.constant 1 : i32
    %dma_start3A_10 = arith.constant 0 : i32
    %dma_start3A_11 = tpu.memref_slice %arg5[%dma_start3A_9, %dma_start3A_10] : memref<50x128xi32, #tpu.memory_space<vmem>> -> memref<1x128xi32, #tpu.memory_space<vmem>>
    %dma_start3A_12 = tpu.memref_squeeze %dma_start3A_11 : memref<1x128xi32, #tpu.memory_space<vmem>> -> memref<128xi32, #tpu.memory_space<vmem>>
    %dma_start3A_13 = arith.constant 0 : i32
    %dma_start3A_14 = arith.constant 0 : i32
    %dma_start3A_15 = tpu.memref_slice %arg2[%dma_start3A_13, %dma_start3A_14] : memref<100000x128xf32, #tpu.memory_space<hbm>> -> memref<100000x128xf32, #tpu.memory_space<hbm>>
    tpu.enqueue_indirect_dma source(%dma_start3A_15 : memref<100000x128xf32, #tpu.memory_space<hbm>>) target(%arg7 : memref<128x128xf32, #tpu.memory_space<vmem>>) offsets(%dma_start3A_12 : memref<128xi32, #tpu.memory_space<vmem>>) semaphore(%arg11 : memref<!tpu.dma_semaphore, #tpu.memory_space<semaphore_mem>>)
    %dma_start3A_16 = arith.constant 2 : i32
    %dma_start3A_17 = arith.constant 0 : i32
    %dma_start3A_18 = tpu.memref_slice %arg5[%dma_start3A_16, %dma_start3A_17] : memref<50x128xi32, #tpu.memory_space<vmem>> -> memref<1x128xi32, #tpu.memory_space<vmem>>
    %dma_start3A_19 = tpu.memref_squeeze %dma_start3A_18 : memref<1x128xi32, #tpu.memory_space<vmem>> -> memref<128xi32, #tpu.memory_space<vmem>>
    %dma_start3A_20 = arith.constant 0 : i32
    %dma_start3A_21 = arith.constant 0 : i32
    %dma_start3A_22 = tpu.memref_slice %arg2[%dma_start3A_20, %dma_start3A_21] : memref<100000x128xf32, #tpu.memory_space<hbm>> -> memref<100000x128xf32, #tpu.memory_space<hbm>>
    tpu.enqueue_indirect_dma source(%dma_start3A_22 : memref<100000x128xf32, #tpu.memory_space<hbm>>) target(%arg8 : memref<128x128xf32, #tpu.memory_space<vmem>>) offsets(%dma_start3A_19 : memref<128xi32, #tpu.memory_space<vmem>>) semaphore(%arg11 : memref<!tpu.dma_semaphore, #tpu.memory_space<semaphore_mem>>)
    %dma_start3A_23 = arith.constant 3 : i32
    %dma_start3A_24 = arith.constant 0 : i32
    %dma_start3A_25 = tpu.memref_slice %arg5[%dma_start3A_23, %dma_start3A_24] : memref<50x128xi32, #tpu.memory_space<vmem>> -> memref<1x128xi32, #tpu.memory_space<vmem>>
    %dma_start3A_26 = tpu.memref_squeeze %dma_start3A_25 : memref<1x128xi32, #tpu.memory_space<vmem>> -> memref<128xi32, #tpu.memory_space<vmem>>
    %dma_start3A_27 = arith.constant 0 : i32
    %dma_start3A_28 = arith.constant 0 : i32
    %dma_start3A_29 = tpu.memref_slice %arg2[%dma_start3A_27, %dma_start3A_28] : memref<100000x128xf32, #tpu.memory_space<hbm>> -> memref<100000x128xf32, #tpu.memory_space<hbm>>
    tpu.enqueue_indirect_dma source(%dma_start3A_29 : memref<100000x128xf32, #tpu.memory_space<hbm>>) target(%arg9 : memref<128x128xf32, #tpu.memory_space<vmem>>) offsets(%dma_start3A_26 : memref<128xi32, #tpu.memory_space<vmem>>) semaphore(%arg11 : memref<!tpu.dma_semaphore, #tpu.memory_space<semaphore_mem>>)
    %dma_start3A_30 = arith.constant 4 : i32
    %dma_start3A_31 = arith.constant 0 : i32
    %dma_start3A_32 = tpu.memref_slice %arg5[%dma_start3A_30, %dma_start3A_31] : memref<50x128xi32, #tpu.memory_space<vmem>> -> memref<1x128xi32, #tpu.memory_space<vmem>>
    %dma_start3A_33 = tpu.memref_squeeze %dma_start3A_32 : memref<1x128xi32, #tpu.memory_space<vmem>> -> memref<128xi32, #tpu.memory_space<vmem>>
    %dma_start3A_34 = arith.constant 0 : i32
    %dma_start3A_35 = arith.constant 0 : i32
    %dma_start3A_36 = tpu.memref_slice %arg2[%dma_start3A_34, %dma_start3A_35] : memref<100000x128xf32, #tpu.memory_space<hbm>> -> memref<100000x128xf32, #tpu.memory_space<hbm>>
    tpu.enqueue_indirect_dma source(%dma_start3A_36 : memref<100000x128xf32, #tpu.memory_space<hbm>>) target(%arg10 : memref<128x128xf32, #tpu.memory_space<vmem>>) offsets(%dma_start3A_33 : memref<128xi32, #tpu.memory_space<vmem>>) semaphore(%arg11 : memref<!tpu.dma_semaphore, #tpu.memory_space<semaphore_mem>>)
    %dma_wait3A = arith.constant 0 : i32
    %dma_wait3A_37 = arith.constant 0 : i32
    %dma_wait3A_38 = tpu.memref_slice %arg5[%dma_wait3A, %dma_wait3A_37] : memref<50x128xi32, #tpu.memory_space<vmem>> -> memref<1x128xi32, #tpu.memory_space<vmem>>
    %dma_wait3A_39 = tpu.memref_squeeze %dma_wait3A_38 : memref<1x128xi32, #tpu.memory_space<vmem>> -> memref<128xi32, #tpu.memory_space<vmem>>
    %dma_wait3A_40 = arith.constant 0 : i32
    %dma_wait3A_41 = arith.constant 0 : i32
    %dma_wait3A_42 = tpu.memref_slice %arg2[%dma_wait3A_40, %dma_wait3A_41] : memref<100000x128xf32, #tpu.memory_space<hbm>> -> memref<100000x128xf32, #tpu.memory_space<hbm>>
    tpu.wait_indirect_dma semaphore(%arg11 : memref<!tpu.dma_semaphore, #tpu.memory_space<semaphore_mem>>) src(%dma_wait3A_42 : memref<100000x128xf32, #tpu.memory_space<hbm>>) dst(%arg6 : memref<128x128xf32, #tpu.memory_space<vmem>>)
    %add3A_43 = arith.constant 0 : i32
    %add3A_44 = arith.addi %mul3A_2, %add3A_43 : i32
    %dma_start3A_45 = arith.constant 0 : i32
    %dma_start3A_46 = tpu.memref_slice %arg4[%add3A_44, %dma_start3A_45] : memref<204800x128xf32, #tpu.memory_space<hbm>> -> memref<128x128xf32, #tpu.memory_space<hbm>>
    %dma_start3A_47 = arith.constant 0 : i32
    %dma_start3A_48 = tpu.memref_slice %arg4[%add3A_44, %dma_start3A_47] : memref<204800x128xf32, #tpu.memory_space<hbm>> -> memref<128x128xf32, #tpu.memory_space<hbm>>
    tpu.enqueue_dma source(%arg6 : memref<128x128xf32, #tpu.memory_space<vmem>>) target(%dma_start3A_48 : memref<128x128xf32, #tpu.memory_space<hbm>>) target_semaphore(%arg12 : memref<!tpu.dma_semaphore, #tpu.memory_space<semaphore_mem>>)
    %dma_wait3A_49 = arith.constant 1 : i32
    %dma_wait3A_50 = arith.constant 0 : i32
    %dma_wait3A_51 = tpu.memref_slice %arg5[%dma_wait3A_49, %dma_wait3A_50] : memref<50x128xi32, #tpu.memory_space<vmem>> -> memref<1x128xi32, #tpu.memory_space<vmem>>
    %dma_wait3A_52 = tpu.memref_squeeze %dma_wait3A_51 : memref<1x128xi32, #tpu.memory_space<vmem>> -> memref<128xi32, #tpu.memory_space<vmem>>
    %dma_wait3A_53 = arith.constant 0 : i32
    %dma_wait3A_54 = arith.constant 0 : i32
    %dma_wait3A_55 = tpu.memref_slice %arg2[%dma_wait3A_53, %dma_wait3A_54] : memref<100000x128xf32, #tpu.memory_space<hbm>> -> memref<100000x128xf32, #tpu.memory_space<hbm>>
    tpu.wait_indirect_dma semaphore(%arg11 : memref<!tpu.dma_semaphore, #tpu.memory_space<semaphore_mem>>) src(%dma_wait3A_55 : memref<100000x128xf32, #tpu.memory_space<hbm>>) dst(%arg7 : memref<128x128xf32, #tpu.memory_space<vmem>>)
    %add3A_56 = arith.constant 128 : i32
    %add3A_57 = arith.addi %mul3A_2, %add3A_56 : i32
    %dma_start3A_58 = arith.constant 0 : i32
    %dma_start3A_59 = tpu.memref_slice %arg4[%add3A_57, %dma_start3A_58] : memref<204800x128xf32, #tpu.memory_space<hbm>> -> memref<128x128xf32, #tpu.memory_space<hbm>>
    %dma_start3A_60 = arith.constant 0 : i32
    %dma_start3A_61 = tpu.memref_slice %arg4[%add3A_57, %dma_start3A_60] : memref<204800x128xf32, #tpu.memory_space<hbm>> -> memref<128x128xf32, #tpu.memory_space<hbm>>
    tpu.enqueue_dma source(%arg7 : memref<128x128xf32, #tpu.memory_space<vmem>>) target(%dma_start3A_61 : memref<128x128xf32, #tpu.memory_space<hbm>>) target_semaphore(%arg12 : memref<!tpu.dma_semaphore, #tpu.memory_space<semaphore_mem>>)
    %dma_wait3A_62 = arith.constant 2 : i32
    %dma_wait3A_63 = arith.constant 0 : i32
    %dma_wait3A_64 = tpu.memref_slice %arg5[%dma_wait3A_62, %dma_wait3A_63] : memref<50x128xi32, #tpu.memory_space<vmem>> -> memref<1x128xi32, #tpu.memory_space<vmem>>
    %dma_wait3A_65 = tpu.memref_squeeze %dma_wait3A_64 : memref<1x128xi32, #tpu.memory_space<vmem>> -> memref<128xi32, #tpu.memory_space<vmem>>
    %dma_wait3A_66 = arith.constant 0 : i32
    %dma_wait3A_67 = arith.constant 0 : i32
    %dma_wait3A_68 = tpu.memref_slice %arg2[%dma_wait3A_66, %dma_wait3A_67] : memref<100000x128xf32, #tpu.memory_space<hbm>> -> memref<100000x128xf32, #tpu.memory_space<hbm>>
    tpu.wait_indirect_dma semaphore(%arg11 : memref<!tpu.dma_semaphore, #tpu.memory_space<semaphore_mem>>) src(%dma_wait3A_68 : memref<100000x128xf32, #tpu.memory_space<hbm>>) dst(%arg8 : memref<128x128xf32, #tpu.memory_space<vmem>>)
    %add3A_69 = arith.constant 256 : i32
    %add3A_70 = arith.addi %mul3A_2, %add3A_69 : i32
    %dma_start3A_71 = arith.constant 0 : i32
    %dma_start3A_72 = tpu.memref_slice %arg4[%add3A_70, %dma_start3A_71] : memref<204800x128xf32, #tpu.memory_space<hbm>> -> memref<128x128xf32, #tpu.memory_space<hbm>>
    %dma_start3A_73 = arith.constant 0 : i32
    %dma_start3A_74 = tpu.memref_slice %arg4[%add3A_70, %dma_start3A_73] : memref<204800x128xf32, #tpu.memory_space<hbm>> -> memref<128x128xf32, #tpu.memory_space<hbm>>
    tpu.enqueue_dma source(%arg8 : memref<128x128xf32, #tpu.memory_space<vmem>>) target(%dma_start3A_74 : memref<128x128xf32, #tpu.memory_space<hbm>>) target_semaphore(%arg12 : memref<!tpu.dma_semaphore, #tpu.memory_space<semaphore_mem>>)
    %dma_wait3A_75 = arith.constant 3 : i32
    %dma_wait3A_76 = arith.constant 0 : i32
    %dma_wait3A_77 = tpu.memref_slice %arg5[%dma_wait3A_75, %dma_wait3A_76] : memref<50x128xi32, #tpu.memory_space<vmem>> -> memref<1x128xi32, #tpu.memory_space<vmem>>
    %dma_wait3A_78 = tpu.memref_squeeze %dma_wait3A_77 : memref<1x128xi32, #tpu.memory_space<vmem>> -> memref<128xi32, #tpu.memory_space<vmem>>
    %dma_wait3A_79 = arith.constant 0 : i32
    %dma_wait3A_80 = arith.constant 0 : i32
    %dma_wait3A_81 = tpu.memref_slice %arg2[%dma_wait3A_79, %dma_wait3A_80] : memref<100000x128xf32, #tpu.memory_space<hbm>> -> memref<100000x128xf32, #tpu.memory_space<hbm>>
    tpu.wait_indirect_dma semaphore(%arg11 : memref<!tpu.dma_semaphore, #tpu.memory_space<semaphore_mem>>) src(%dma_wait3A_81 : memref<100000x128xf32, #tpu.memory_space<hbm>>) dst(%arg9 : memref<128x128xf32, #tpu.memory_space<vmem>>)
    %add3A_82 = arith.constant 384 : i32
    %add3A_83 = arith.addi %mul3A_2, %add3A_82 : i32
    %dma_start3A_84 = arith.constant 0 : i32
    %dma_start3A_85 = tpu.memref_slice %arg4[%add3A_83, %dma_start3A_84] : memref<204800x128xf32, #tpu.memory_space<hbm>> -> memref<128x128xf32, #tpu.memory_space<hbm>>
    %dma_start3A_86 = arith.constant 0 : i32
    %dma_start3A_87 = tpu.memref_slice %arg4[%add3A_83, %dma_start3A_86] : memref<204800x128xf32, #tpu.memory_space<hbm>> -> memref<128x128xf32, #tpu.memory_space<hbm>>
    tpu.enqueue_dma source(%arg9 : memref<128x128xf32, #tpu.memory_space<vmem>>) target(%dma_start3A_87 : memref<128x128xf32, #tpu.memory_space<hbm>>) target_semaphore(%arg12 : memref<!tpu.dma_semaphore, #tpu.memory_space<semaphore_mem>>)
    %dma_wait3A_88 = arith.constant 4 : i32
    %dma_wait3A_89 = arith.constant 0 : i32
    %dma_wait3A_90 = tpu.memref_slice %arg5[%dma_wait3A_88, %dma_wait3A_89] : memref<50x128xi32, #tpu.memory_space<vmem>> -> memref<1x128xi32, #tpu.memory_space<vmem>>
    %dma_wait3A_91 = tpu.memref_squeeze %dma_wait3A_90 : memref<1x128xi32, #tpu.memory_space<vmem>> -> memref<128xi32, #tpu.memory_space<vmem>>
    %dma_wait3A_92 = arith.constant 0 : i32
    %dma_wait3A_93 = arith.constant 0 : i32
    %dma_wait3A_94 = tpu.memref_slice %arg2[%dma_wait3A_92, %dma_wait3A_93] : memref<100000x128xf32, #tpu.memory_space<hbm>> -> memref<100000x128xf32, #tpu.memory_space<hbm>>
    tpu.wait_indirect_dma semaphore(%arg11 : memref<!tpu.dma_semaphore, #tpu.memory_space<semaphore_mem>>) src(%dma_wait3A_94 : memref<100000x128xf32, #tpu.memory_space<hbm>>) dst(%arg10 : memref<128x128xf32, #tpu.memory_space<vmem>>)
    %add3A_95 = arith.constant 512 : i32
    %add3A_96 = arith.addi %mul3A_2, %add3A_95 : i32
    %dma_start3A_97 = arith.constant 0 : i32
    %dma_start3A_98 = tpu.memref_slice %arg4[%add3A_96, %dma_start3A_97] : memref<204800x128xf32, #tpu.memory_space<hbm>> -> memref<128x128xf32, #tpu.memory_space<hbm>>
    %dma_start3A_99 = arith.constant 0 : i32
    %dma_start3A_100 = tpu.memref_slice %arg4[%add3A_96, %dma_start3A_99] : memref<204800x128xf32, #tpu.memory_space<hbm>> -> memref<128x128xf32, #tpu.memory_space<hbm>>
    tpu.enqueue_dma source(%arg10 : memref<128x128xf32, #tpu.memory_space<vmem>>) target(%dma_start3A_100 : memref<128x128xf32, #tpu.memory_space<hbm>>) target_semaphore(%arg12 : memref<!tpu.dma_semaphore, #tpu.memory_space<semaphore_mem>>)
    %scan3A = arith.constant 0 : i32
    %scan3A_101 = arith.constant 9 : i32
    %scan3A_102 = arith.addi %scan3A, %scan3A_101 : i32
    %scan3A_103 = arith.constant 1 : i32
    scf.for %scan3A_135 = %scan3A to %scan3A_102 step %scan3A_103  : i32 {
      %mul3A_136 = arith.constant 5 : i32
      %mul3A_137 = arith.muli %scan3A_135, %mul3A_136 : i32
      %add3A_138 = arith.constant 5 : i32
      %add3A_139 = arith.addi %add3A_138, %mul3A_137 : i32
      %sub3A = arith.constant 5 : i32
      %sub3A_140 = arith.subi %add3A_139, %sub3A : i32
      %add3A_141 = arith.constant 0 : i32
      %add3A_142 = arith.addi %sub3A_140, %add3A_141 : i32
      %mul3A_143 = arith.constant 128 : i32
      %mul3A_144 = arith.muli %add3A_142, %mul3A_143 : i32
      %add3A_145 = arith.addi %mul3A_2, %mul3A_144 : i32
      %dma_wait3A_146 = arith.constant 0 : i32
      %dma_wait3A_147 = tpu.memref_slice %arg4[%add3A_145, %dma_wait3A_146] : memref<204800x128xf32, #tpu.memory_space<hbm>> -> memref<128x128xf32, #tpu.memory_space<hbm>>
      %dma_wait3A_148 = arith.constant 0 : i32
      %dma_wait3A_149 = tpu.memref_slice %arg4[%add3A_145, %dma_wait3A_148] : memref<204800x128xf32, #tpu.memory_space<hbm>> -> memref<128x128xf32, #tpu.memory_space<hbm>>
      tpu.wait_dma2 semaphore(%arg12 : memref<!tpu.dma_semaphore, #tpu.memory_space<semaphore_mem>>) src(%arg6 : memref<128x128xf32, #tpu.memory_space<vmem>>) dst(%dma_wait3A_149 : memref<128x128xf32, #tpu.memory_space<hbm>>)
      %add3A_150 = arith.constant 0 : i32
      %add3A_151 = arith.addi %add3A_139, %add3A_150 : i32
      %dma_start3A_152 = arith.constant 0 : i32
      %dma_start3A_153 = tpu.memref_slice %arg5[%add3A_151, %dma_start3A_152] : memref<50x128xi32, #tpu.memory_space<vmem>> -> memref<1x128xi32, #tpu.memory_space<vmem>>
      %dma_start3A_154 = tpu.memref_squeeze %dma_start3A_153 : memref<1x128xi32, #tpu.memory_space<vmem>> -> memref<128xi32, #tpu.memory_space<vmem>>
      %dma_start3A_155 = arith.constant 0 : i32
      %dma_start3A_156 = arith.constant 0 : i32
      %dma_start3A_157 = tpu.memref_slice %arg2[%dma_start3A_155, %dma_start3A_156] : memref<100000x128xf32, #tpu.memory_space<hbm>> -> memref<100000x128xf32, #tpu.memory_space<hbm>>
      tpu.enqueue_indirect_dma source(%dma_start3A_157 : memref<100000x128xf32, #tpu.memory_space<hbm>>) target(%arg6 : memref<128x128xf32, #tpu.memory_space<vmem>>) offsets(%dma_start3A_154 : memref<128xi32, #tpu.memory_space<vmem>>) semaphore(%arg11 : memref<!tpu.dma_semaphore, #tpu.memory_space<semaphore_mem>>)
      %sub3A_158 = arith.constant 5 : i32
      %sub3A_159 = arith.subi %add3A_139, %sub3A_158 : i32
      %add3A_160 = arith.constant 1 : i32
      %add3A_161 = arith.addi %sub3A_159, %add3A_160 : i32
      %mul3A_162 = arith.constant 128 : i32
      %mul3A_163 = arith.muli %add3A_161, %mul3A_162 : i32
      %add3A_164 = arith.addi %mul3A_2, %mul3A_163 : i32
      %dma_wait3A_165 = arith.constant 0 : i32
      %dma_wait3A_166 = tpu.memref_slice %arg4[%add3A_164, %dma_wait3A_165] : memref<204800x128xf32, #tpu.memory_space<hbm>> -> memref<128x128xf32, #tpu.memory_space<hbm>>
      %dma_wait3A_167 = arith.constant 0 : i32
      %dma_wait3A_168 = tpu.memref_slice %arg4[%add3A_164, %dma_wait3A_167] : memref<204800x128xf32, #tpu.memory_space<hbm>> -> memref<128x128xf32, #tpu.memory_space<hbm>>
      tpu.wait_dma2 semaphore(%arg12 : memref<!tpu.dma_semaphore, #tpu.memory_space<semaphore_mem>>) src(%arg7 : memref<128x128xf32, #tpu.memory_space<vmem>>) dst(%dma_wait3A_168 : memref<128x128xf32, #tpu.memory_space<hbm>>)
      %add3A_169 = arith.constant 1 : i32
      %add3A_170 = arith.addi %add3A_139, %add3A_169 : i32
      %dma_start3A_171 = arith.constant 0 : i32
      %dma_start3A_172 = tpu.memref_slice %arg5[%add3A_170, %dma_start3A_171] : memref<50x128xi32, #tpu.memory_space<vmem>> -> memref<1x128xi32, #tpu.memory_space<vmem>>
      %dma_start3A_173 = tpu.memref_squeeze %dma_start3A_172 : memref<1x128xi32, #tpu.memory_space<vmem>> -> memref<128xi32, #tpu.memory_space<vmem>>
      %dma_start3A_174 = arith.constant 0 : i32
      %dma_start3A_175 = arith.constant 0 : i32
      %dma_start3A_176 = tpu.memref_slice %arg2[%dma_start3A_174, %dma_start3A_175] : memref<100000x128xf32, #tpu.memory_space<hbm>> -> memref<100000x128xf32, #tpu.memory_space<hbm>>
      tpu.enqueue_indirect_dma source(%dma_start3A_176 : memref<100000x128xf32, #tpu.memory_space<hbm>>) target(%arg7 : memref<128x128xf32, #tpu.memory_space<vmem>>) offsets(%dma_start3A_173 : memref<128xi32, #tpu.memory_space<vmem>>) semaphore(%arg11 : memref<!tpu.dma_semaphore, #tpu.memory_space<semaphore_mem>>)
      %sub3A_177 = arith.constant 5 : i32
      %sub3A_178 = arith.subi %add3A_139, %sub3A_177 : i32
      %add3A_179 = arith.constant 2 : i32
      %add3A_180 = arith.addi %sub3A_178, %add3A_179 : i32
      %mul3A_181 = arith.constant 128 : i32
      %mul3A_182 = arith.muli %add3A_180, %mul3A_181 : i32
      %add3A_183 = arith.addi %mul3A_2, %mul3A_182 : i32
      %dma_wait3A_184 = arith.constant 0 : i32
      %dma_wait3A_185 = tpu.memref_slice %arg4[%add3A_183, %dma_wait3A_184] : memref<204800x128xf32, #tpu.memory_space<hbm>> -> memref<128x128xf32, #tpu.memory_space<hbm>>
      %dma_wait3A_186 = arith.constant 0 : i32
      %dma_wait3A_187 = tpu.memref_slice %arg4[%add3A_183, %dma_wait3A_186] : memref<204800x128xf32, #tpu.memory_space<hbm>> -> memref<128x128xf32, #tpu.memory_space<hbm>>
      tpu.wait_dma2 semaphore(%arg12 : memref<!tpu.dma_semaphore, #tpu.memory_space<semaphore_mem>>) src(%arg8 : memref<128x128xf32, #tpu.memory_space<vmem>>) dst(%dma_wait3A_187 : memref<128x128xf32, #tpu.memory_space<hbm>>)
      %add3A_188 = arith.constant 2 : i32
      %add3A_189 = arith.addi %add3A_139, %add3A_188 : i32
      %dma_start3A_190 = arith.constant 0 : i32
      %dma_start3A_191 = tpu.memref_slice %arg5[%add3A_189, %dma_start3A_190] : memref<50x128xi32, #tpu.memory_space<vmem>> -> memref<1x128xi32, #tpu.memory_space<vmem>>
      %dma_start3A_192 = tpu.memref_squeeze %dma_start3A_191 : memref<1x128xi32, #tpu.memory_space<vmem>> -> memref<128xi32, #tpu.memory_space<vmem>>
      %dma_start3A_193 = arith.constant 0 : i32
      %dma_start3A_194 = arith.constant 0 : i32
      %dma_start3A_195 = tpu.memref_slice %arg2[%dma_start3A_193, %dma_start3A_194] : memref<100000x128xf32, #tpu.memory_space<hbm>> -> memref<100000x128xf32, #tpu.memory_space<hbm>>
      tpu.enqueue_indirect_dma source(%dma_start3A_195 : memref<100000x128xf32, #tpu.memory_space<hbm>>) target(%arg8 : memref<128x128xf32, #tpu.memory_space<vmem>>) offsets(%dma_start3A_192 : memref<128xi32, #tpu.memory_space<vmem>>) semaphore(%arg11 : memref<!tpu.dma_semaphore, #tpu.memory_space<semaphore_mem>>)
      %sub3A_196 = arith.constant 5 : i32
      %sub3A_197 = arith.subi %add3A_139, %sub3A_196 : i32
      %add3A_198 = arith.constant 3 : i32
      %add3A_199 = arith.addi %sub3A_197, %add3A_198 : i32
      %mul3A_200 = arith.constant 128 : i32
      %mul3A_201 = arith.muli %add3A_199, %mul3A_200 : i32
      %add3A_202 = arith.addi %mul3A_2, %mul3A_201 : i32
      %dma_wait3A_203 = arith.constant 0 : i32
      %dma_wait3A_204 = tpu.memref_slice %arg4[%add3A_202, %dma_wait3A_203] : memref<204800x128xf32, #tpu.memory_space<hbm>> -> memref<128x128xf32, #tpu.memory_space<hbm>>
      %dma_wait3A_205 = arith.constant 0 : i32
      %dma_wait3A_206 = tpu.memref_slice %arg4[%add3A_202, %dma_wait3A_205] : memref<204800x128xf32, #tpu.memory_space<hbm>> -> memref<128x128xf32, #tpu.memory_space<hbm>>
      tpu.wait_dma2 semaphore(%arg12 : memref<!tpu.dma_semaphore, #tpu.memory_space<semaphore_mem>>) src(%arg9 : memref<128x128xf32, #tpu.memory_space<vmem>>) dst(%dma_wait3A_206 : memref<128x128xf32, #tpu.memory_space<hbm>>)
      %add3A_207 = arith.constant 3 : i32
      %add3A_208 = arith.addi %add3A_139, %add3A_207 : i32
      %dma_start3A_209 = arith.constant 0 : i32
      %dma_start3A_210 = tpu.memref_slice %arg5[%add3A_208, %dma_start3A_209] : memref<50x128xi32, #tpu.memory_space<vmem>> -> memref<1x128xi32, #tpu.memory_space<vmem>>
      %dma_start3A_211 = tpu.memref_squeeze %dma_start3A_210 : memref<1x128xi32, #tpu.memory_space<vmem>> -> memref<128xi32, #tpu.memory_space<vmem>>
      %dma_start3A_212 = arith.constant 0 : i32
      %dma_start3A_213 = arith.constant 0 : i32
      %dma_start3A_214 = tpu.memref_slice %arg2[%dma_start3A_212, %dma_start3A_213] : memref<100000x128xf32, #tpu.memory_space<hbm>> -> memref<100000x128xf32, #tpu.memory_space<hbm>>
      tpu.enqueue_indirect_dma source(%dma_start3A_214 : memref<100000x128xf32, #tpu.memory_space<hbm>>) target(%arg9 : memref<128x128xf32, #tpu.memory_space<vmem>>) offsets(%dma_start3A_211 : memref<128xi32, #tpu.memory_space<vmem>>) semaphore(%arg11 : memref<!tpu.dma_semaphore, #tpu.memory_space<semaphore_mem>>)
      %sub3A_215 = arith.constant 5 : i32
      %sub3A_216 = arith.subi %add3A_139, %sub3A_215 : i32
      %add3A_217 = arith.constant 4 : i32
      %add3A_218 = arith.addi %sub3A_216, %add3A_217 : i32
      %mul3A_219 = arith.constant 128 : i32
      %mul3A_220 = arith.muli %add3A_218, %mul3A_219 : i32
      %add3A_221 = arith.addi %mul3A_2, %mul3A_220 : i32
      %dma_wait3A_222 = arith.constant 0 : i32
      %dma_wait3A_223 = tpu.memref_slice %arg4[%add3A_221, %dma_wait3A_222] : memref<204800x128xf32, #tpu.memory_space<hbm>> -> memref<128x128xf32, #tpu.memory_space<hbm>>
      %dma_wait3A_224 = arith.constant 0 : i32
      %dma_wait3A_225 = tpu.memref_slice %arg4[%add3A_221, %dma_wait3A_224] : memref<204800x128xf32, #tpu.memory_space<hbm>> -> memref<128x128xf32, #tpu.memory_space<hbm>>
      tpu.wait_dma2 semaphore(%arg12 : memref<!tpu.dma_semaphore, #tpu.memory_space<semaphore_mem>>) src(%arg10 : memref<128x128xf32, #tpu.memory_space<vmem>>) dst(%dma_wait3A_225 : memref<128x128xf32, #tpu.memory_space<hbm>>)
      %add3A_226 = arith.constant 4 : i32
      %add3A_227 = arith.addi %add3A_139, %add3A_226 : i32
      %dma_start3A_228 = arith.constant 0 : i32
      %dma_start3A_229 = tpu.memref_slice %arg5[%add3A_227, %dma_start3A_228] : memref<50x128xi32, #tpu.memory_space<vmem>> -> memref<1x128xi32, #tpu.memory_space<vmem>>
      %dma_start3A_230 = tpu.memref_squeeze %dma_start3A_229 : memref<1x128xi32, #tpu.memory_space<vmem>> -> memref<128xi32, #tpu.memory_space<vmem>>
      %dma_start3A_231 = arith.constant 0 : i32
      %dma_start3A_232 = arith.constant 0 : i32
      %dma_start3A_233 = tpu.memref_slice %arg2[%dma_start3A_231, %dma_start3A_232] : memref<100000x128xf32, #tpu.memory_space<hbm>> -> memref<100000x128xf32, #tpu.memory_space<hbm>>
      tpu.enqueue_indirect_dma source(%dma_start3A_233 : memref<100000x128xf32, #tpu.memory_space<hbm>>) target(%arg10 : memref<128x128xf32, #tpu.memory_space<vmem>>) offsets(%dma_start3A_230 : memref<128xi32, #tpu.memory_space<vmem>>) semaphore(%arg11 : memref<!tpu.dma_semaphore, #tpu.memory_space<semaphore_mem>>)
      %dma_wait3A_234 = arith.constant 0 : i32
      %dma_wait3A_235 = tpu.memref_slice %arg5[%add3A_151, %dma_wait3A_234] : memref<50x128xi32, #tpu.memory_space<vmem>> -> memref<1x128xi32, #tpu.memory_space<vmem>>
      %dma_wait3A_236 = tpu.memref_squeeze %dma_wait3A_235 : memref<1x128xi32, #tpu.memory_space<vmem>> -> memref<128xi32, #tpu.memory_space<vmem>>
      %dma_wait3A_237 = arith.constant 0 : i32
      %dma_wait3A_238 = arith.constant 0 : i32
      %dma_wait3A_239 = tpu.memref_slice %arg2[%dma_wait3A_237, %dma_wait3A_238] : memref<100000x128xf32, #tpu.memory_space<hbm>> -> memref<100000x128xf32, #tpu.memory_space<hbm>>
      tpu.wait_indirect_dma semaphore(%arg11 : memref<!tpu.dma_semaphore, #tpu.memory_space<semaphore_mem>>) src(%dma_wait3A_239 : memref<100000x128xf32, #tpu.memory_space<hbm>>) dst(%arg6 : memref<128x128xf32, #tpu.memory_space<vmem>>)
      %add3A_240 = arith.constant 0 : i32
      %add3A_241 = arith.addi %add3A_139, %add3A_240 : i32
      %mul3A_242 = arith.constant 128 : i32
      %mul3A_243 = arith.muli %add3A_241, %mul3A_242 : i32
      %add3A_244 = arith.addi %mul3A_2, %mul3A_243 : i32
      %dma_start3A_245 = arith.constant 0 : i32
      %dma_start3A_246 = tpu.memref_slice %arg4[%add3A_244, %dma_start3A_245] : memref<204800x128xf32, #tpu.memory_space<hbm>> -> memref<128x128xf32, #tpu.memory_space<hbm>>
      %dma_start3A_247 = arith.constant 0 : i32
      %dma_start3A_248 = tpu.memref_slice %arg4[%add3A_244, %dma_start3A_247] : memref<204800x128xf32, #tpu.memory_space<hbm>> -> memref<128x128xf32, #tpu.memory_space<hbm>>
      tpu.enqueue_dma source(%arg6 : memref<128x128xf32, #tpu.memory_space<vmem>>) target(%dma_start3A_248 : memref<128x128xf32, #tpu.memory_space<hbm>>) target_semaphore(%arg12 : memref<!tpu.dma_semaphore, #tpu.memory_space<semaphore_mem>>)
      %dma_wait3A_249 = arith.constant 0 : i32
      %dma_wait3A_250 = tpu.memref_slice %arg5[%add3A_170, %dma_wait3A_249] : memref<50x128xi32, #tpu.memory_space<vmem>> -> memref<1x128xi32, #tpu.memory_space<vmem>>
      %dma_wait3A_251 = tpu.memref_squeeze %dma_wait3A_250 : memref<1x128xi32, #tpu.memory_space<vmem>> -> memref<128xi32, #tpu.memory_space<vmem>>
      %dma_wait3A_252 = arith.constant 0 : i32
      %dma_wait3A_253 = arith.constant 0 : i32
      %dma_wait3A_254 = tpu.memref_slice %arg2[%dma_wait3A_252, %dma_wait3A_253] : memref<100000x128xf32, #tpu.memory_space<hbm>> -> memref<100000x128xf32, #tpu.memory_space<hbm>>
      tpu.wait_indirect_dma semaphore(%arg11 : memref<!tpu.dma_semaphore, #tpu.memory_space<semaphore_mem>>) src(%dma_wait3A_254 : memref<100000x128xf32, #tpu.memory_space<hbm>>) dst(%arg7 : memref<128x128xf32, #tpu.memory_space<vmem>>)
      %add3A_255 = arith.constant 1 : i32
      %add3A_256 = arith.addi %add3A_139, %add3A_255 : i32
      %mul3A_257 = arith.constant 128 : i32
      %mul3A_258 = arith.muli %add3A_256, %mul3A_257 : i32
      %add3A_259 = arith.addi %mul3A_2, %mul3A_258 : i32
      %dma_start3A_260 = arith.constant 0 : i32
      %dma_start3A_261 = tpu.memref_slice %arg4[%add3A_259, %dma_start3A_260] : memref<204800x128xf32, #tpu.memory_space<hbm>> -> memref<128x128xf32, #tpu.memory_space<hbm>>
      %dma_start3A_262 = arith.constant 0 : i32
      %dma_start3A_263 = tpu.memref_slice %arg4[%add3A_259, %dma_start3A_262] : memref<204800x128xf32, #tpu.memory_space<hbm>> -> memref<128x128xf32, #tpu.memory_space<hbm>>
      tpu.enqueue_dma source(%arg7 : memref<128x128xf32, #tpu.memory_space<vmem>>) target(%dma_start3A_263 : memref<128x128xf32, #tpu.memory_space<hbm>>) target_semaphore(%arg12 : memref<!tpu.dma_semaphore, #tpu.memory_space<semaphore_mem>>)
      %dma_wait3A_264 = arith.constant 0 : i32
      %dma_wait3A_265 = tpu.memref_slice %arg5[%add3A_189, %dma_wait3A_264] : memref<50x128xi32, #tpu.memory_space<vmem>> -> memref<1x128xi32, #tpu.memory_space<vmem>>
      %dma_wait3A_266 = tpu.memref_squeeze %dma_wait3A_265 : memref<1x128xi32, #tpu.memory_space<vmem>> -> memref<128xi32, #tpu.memory_space<vmem>>
      %dma_wait3A_267 = arith.constant 0 : i32
      %dma_wait3A_268 = arith.constant 0 : i32
      %dma_wait3A_269 = tpu.memref_slice %arg2[%dma_wait3A_267, %dma_wait3A_268] : memref<100000x128xf32, #tpu.memory_space<hbm>> -> memref<100000x128xf32, #tpu.memory_space<hbm>>
      tpu.wait_indirect_dma semaphore(%arg11 : memref<!tpu.dma_semaphore, #tpu.memory_space<semaphore_mem>>) src(%dma_wait3A_269 : memref<100000x128xf32, #tpu.memory_space<hbm>>) dst(%arg8 : memref<128x128xf32, #tpu.memory_space<vmem>>)
      %add3A_270 = arith.constant 2 : i32
      %add3A_271 = arith.addi %add3A_139, %add3A_270 : i32
      %mul3A_272 = arith.constant 128 : i32
      %mul3A_273 = arith.muli %add3A_271, %mul3A_272 : i32
      %add3A_274 = arith.addi %mul3A_2, %mul3A_273 : i32
      %dma_start3A_275 = arith.constant 0 : i32
      %dma_start3A_276 = tpu.memref_slice %arg4[%add3A_274, %dma_start3A_275] : memref<204800x128xf32, #tpu.memory_space<hbm>> -> memref<128x128xf32, #tpu.memory_space<hbm>>
      %dma_start3A_277 = arith.constant 0 : i32
      %dma_start3A_278 = tpu.memref_slice %arg4[%add3A_274, %dma_start3A_277] : memref<204800x128xf32, #tpu.memory_space<hbm>> -> memref<128x128xf32, #tpu.memory_space<hbm>>
      tpu.enqueue_dma source(%arg8 : memref<128x128xf32, #tpu.memory_space<vmem>>) target(%dma_start3A_278 : memref<128x128xf32, #tpu.memory_space<hbm>>) target_semaphore(%arg12 : memref<!tpu.dma_semaphore, #tpu.memory_space<semaphore_mem>>)
      %dma_wait3A_279 = arith.constant 0 : i32
      %dma_wait3A_280 = tpu.memref_slice %arg5[%add3A_208, %dma_wait3A_279] : memref<50x128xi32, #tpu.memory_space<vmem>> -> memref<1x128xi32, #tpu.memory_space<vmem>>
      %dma_wait3A_281 = tpu.memref_squeeze %dma_wait3A_280 : memref<1x128xi32, #tpu.memory_space<vmem>> -> memref<128xi32, #tpu.memory_space<vmem>>
      %dma_wait3A_282 = arith.constant 0 : i32
      %dma_wait3A_283 = arith.constant 0 : i32
      %dma_wait3A_284 = tpu.memref_slice %arg2[%dma_wait3A_282, %dma_wait3A_283] : memref<100000x128xf32, #tpu.memory_space<hbm>> -> memref<100000x128xf32, #tpu.memory_space<hbm>>
      tpu.wait_indirect_dma semaphore(%arg11 : memref<!tpu.dma_semaphore, #tpu.memory_space<semaphore_mem>>) src(%dma_wait3A_284 : memref<100000x128xf32, #tpu.memory_space<hbm>>) dst(%arg9 : memref<128x128xf32, #tpu.memory_space<vmem>>)
      %add3A_285 = arith.constant 3 : i32
      %add3A_286 = arith.addi %add3A_139, %add3A_285 : i32
      %mul3A_287 = arith.constant 128 : i32
      %mul3A_288 = arith.muli %add3A_286, %mul3A_287 : i32
      %add3A_289 = arith.addi %mul3A_2, %mul3A_288 : i32
      %dma_start3A_290 = arith.constant 0 : i32
      %dma_start3A_291 = tpu.memref_slice %arg4[%add3A_289, %dma_start3A_290] : memref<204800x128xf32, #tpu.memory_space<hbm>> -> memref<128x128xf32, #tpu.memory_space<hbm>>
      %dma_start3A_292 = arith.constant 0 : i32
      %dma_start3A_293 = tpu.memref_slice %arg4[%add3A_289, %dma_start3A_292] : memref<204800x128xf32, #tpu.memory_space<hbm>> -> memref<128x128xf32, #tpu.memory_space<hbm>>
      tpu.enqueue_dma source(%arg9 : memref<128x128xf32, #tpu.memory_space<vmem>>) target(%dma_start3A_293 : memref<128x128xf32, #tpu.memory_space<hbm>>) target_semaphore(%arg12 : memref<!tpu.dma_semaphore, #tpu.memory_space<semaphore_mem>>)
      %dma_wait3A_294 = arith.constant 0 : i32
      %dma_wait3A_295 = tpu.memref_slice %arg5[%add3A_227, %dma_wait3A_294] : memref<50x128xi32, #tpu.memory_space<vmem>> -> memref<1x128xi32, #tpu.memory_space<vmem>>
      %dma_wait3A_296 = tpu.memref_squeeze %dma_wait3A_295 : memref<1x128xi32, #tpu.memory_space<vmem>> -> memref<128xi32, #tpu.memory_space<vmem>>
      %dma_wait3A_297 = arith.constant 0 : i32
      %dma_wait3A_298 = arith.constant 0 : i32
      %dma_wait3A_299 = tpu.memref_slice %arg2[%dma_wait3A_297, %dma_wait3A_298] : memref<100000x128xf32, #tpu.memory_space<hbm>> -> memref<100000x128xf32, #tpu.memory_space<hbm>>
      tpu.wait_indirect_dma semaphore(%arg11 : memref<!tpu.dma_semaphore, #tpu.memory_space<semaphore_mem>>) src(%dma_wait3A_299 : memref<100000x128xf32, #tpu.memory_space<hbm>>) dst(%arg10 : memref<128x128xf32, #tpu.memory_space<vmem>>)
      %add3A_300 = arith.constant 4 : i32
      %add3A_301 = arith.addi %add3A_139, %add3A_300 : i32
      %mul3A_302 = arith.constant 128 : i32
      %mul3A_303 = arith.muli %add3A_301, %mul3A_302 : i32
      %add3A_304 = arith.addi %mul3A_2, %mul3A_303 : i32
      %dma_start3A_305 = arith.constant 0 : i32
      %dma_start3A_306 = tpu.memref_slice %arg4[%add3A_304, %dma_start3A_305] : memref<204800x128xf32, #tpu.memory_space<hbm>> -> memref<128x128xf32, #tpu.memory_space<hbm>>
      %dma_start3A_307 = arith.constant 0 : i32
      %dma_start3A_308 = tpu.memref_slice %arg4[%add3A_304, %dma_start3A_307] : memref<204800x128xf32, #tpu.memory_space<hbm>> -> memref<128x128xf32, #tpu.memory_space<hbm>>
      tpu.enqueue_dma source(%arg10 : memref<128x128xf32, #tpu.memory_space<vmem>>) target(%dma_start3A_308 : memref<128x128xf32, #tpu.memory_space<hbm>>) target_semaphore(%arg12 : memref<!tpu.dma_semaphore, #tpu.memory_space<semaphore_mem>>)
    }
    %scan3A_104 = arith.constant 9 : i32
    %add3A_105 = arith.constant 5760 : i32
    %add3A_106 = arith.addi %mul3A_2, %add3A_105 : i32
    %dma_wait3A_107 = arith.constant 0 : i32
    %dma_wait3A_108 = tpu.memref_slice %arg4[%add3A_106, %dma_wait3A_107] : memref<204800x128xf32, #tpu.memory_space<hbm>> -> memref<128x128xf32, #tpu.memory_space<hbm>>
    %dma_wait3A_109 = arith.constant 0 : i32
    %dma_wait3A_110 = tpu.memref_slice %arg4[%add3A_106, %dma_wait3A_109] : memref<204800x128xf32, #tpu.memory_space<hbm>> -> memref<128x128xf32, #tpu.memory_space<hbm>>
    tpu.wait_dma2 semaphore(%arg12 : memref<!tpu.dma_semaphore, #tpu.memory_space<semaphore_mem>>) src(%arg6 : memref<128x128xf32, #tpu.memory_space<vmem>>) dst(%dma_wait3A_110 : memref<128x128xf32, #tpu.memory_space<hbm>>)
    %add3A_111 = arith.constant 5888 : i32
    %add3A_112 = arith.addi %mul3A_2, %add3A_111 : i32
    %dma_wait3A_113 = arith.constant 0 : i32
    %dma_wait3A_114 = tpu.memref_slice %arg4[%add3A_112, %dma_wait3A_113] : memref<204800x128xf32, #tpu.memory_space<hbm>> -> memref<128x128xf32, #tpu.memory_space<hbm>>
    %dma_wait3A_115 = arith.constant 0 : i32
    %dma_wait3A_116 = tpu.memref_slice %arg4[%add3A_112, %dma_wait3A_115] : memref<204800x128xf32, #tpu.memory_space<hbm>> -> memref<128x128xf32, #tpu.memory_space<hbm>>
    tpu.wait_dma2 semaphore(%arg12 : memref<!tpu.dma_semaphore, #tpu.memory_space<semaphore_mem>>) src(%arg7 : memref<128x128xf32, #tpu.memory_space<vmem>>) dst(%dma_wait3A_116 : memref<128x128xf32, #tpu.memory_space<hbm>>)
    %add3A_117 = arith.constant 6016 : i32
    %add3A_118 = arith.addi %mul3A_2, %add3A_117 : i32
    %dma_wait3A_119 = arith.constant 0 : i32
    %dma_wait3A_120 = tpu.memref_slice %arg4[%add3A_118, %dma_wait3A_119] : memref<204800x128xf32, #tpu.memory_space<hbm>> -> memref<128x128xf32, #tpu.memory_space<hbm>>
    %dma_wait3A_121 = arith.constant 0 : i32
    %dma_wait3A_122 = tpu.memref_slice %arg4[%add3A_118, %dma_wait3A_121] : memref<204800x128xf32, #tpu.memory_space<hbm>> -> memref<128x128xf32, #tpu.memory_space<hbm>>
    tpu.wait_dma2 semaphore(%arg12 : memref<!tpu.dma_semaphore, #tpu.memory_space<semaphore_mem>>) src(%arg8 : memref<128x128xf32, #tpu.memory_space<vmem>>) dst(%dma_wait3A_122 : memref<128x128xf32, #tpu.memory_space<hbm>>)
    %add3A_123 = arith.constant 6144 : i32
    %add3A_124 = arith.addi %mul3A_2, %add3A_123 : i32
    %dma_wait3A_125 = arith.constant 0 : i32
    %dma_wait3A_126 = tpu.memref_slice %arg4[%add3A_124, %dma_wait3A_125] : memref<204800x128xf32, #tpu.memory_space<hbm>> -> memref<128x128xf32, #tpu.memory_space<hbm>>
    %dma_wait3A_127 = arith.constant 0 : i32
    %dma_wait3A_128 = tpu.memref_slice %arg4[%add3A_124, %dma_wait3A_127] : memref<204800x128xf32, #tpu.memory_space<hbm>> -> memref<128x128xf32, #tpu.memory_space<hbm>>
    tpu.wait_dma2 semaphore(%arg12 : memref<!tpu.dma_semaphore, #tpu.memory_space<semaphore_mem>>) src(%arg9 : memref<128x128xf32, #tpu.memory_space<vmem>>) dst(%dma_wait3A_128 : memref<128x128xf32, #tpu.memory_space<hbm>>)
    %add3A_129 = arith.constant 6272 : i32
    %add3A_130 = arith.addi %mul3A_2, %add3A_129 : i32
    %dma_wait3A_131 = arith.constant 0 : i32
    %dma_wait3A_132 = tpu.memref_slice %arg4[%add3A_130, %dma_wait3A_131] : memref<204800x128xf32, #tpu.memory_space<hbm>> -> memref<128x128xf32, #tpu.memory_space<hbm>>
    %dma_wait3A_133 = arith.constant 0 : i32
    %dma_wait3A_134 = tpu.memref_slice %arg4[%add3A_130, %dma_wait3A_133] : memref<204800x128xf32, #tpu.memory_space<hbm>> -> memref<128x128xf32, #tpu.memory_space<hbm>>
    tpu.wait_dma2 semaphore(%arg12 : memref<!tpu.dma_semaphore, #tpu.memory_space<semaphore_mem>>) src(%arg10 : memref<128x128xf32, #tpu.memory_space<vmem>>) dst(%dma_wait3A_134 : memref<128x128xf32, #tpu.memory_space<hbm>>)
    return
  }
}

module attributes {stable_mosaic.version = 14 : i64} {
  func.func @_ln_body(%arg0: i32, %arg1: memref<3200x128xf32, #tpu.memory_space<vmem>>, %arg2: memref<1x3200xbf16, #tpu.memory_space<vmem>>, %arg3: memref<3200x128xf32, #tpu.memory_space<vmem>>, %arg4: memref<1x128xf32, #tpu.memory_space<vmem>>, %arg5: memref<1x128xf32, #tpu.memory_space<vmem>>, %arg6: memref<1x128xf32, #tpu.memory_space<vmem>>, %arg7: memref<128x128xbf16, #tpu.memory_space<vmem>>, %arg8: memref<3200x128xf32, #tpu.memory_space<vmem>>) attributes {dimension_semantics = [#tpu.dimension_semantics<arbitrary>], iteration_bounds = array<i64: 64>, scalar_prefetch = 0 : i64, scratch_operands = 0 : i64, tpu.core_type = #tpu.core_type<tc>, window_params = [{transform_indices = @transform_0, window_bounds = array<i64: 3200, 128>}, {transform_indices = @transform_1, window_bounds = array<i64: 1, 3200>}, {pipeline_mode = #tpu.pipeline_mode<synchronous>, transform_indices = @transform_2, window_bounds = array<i64: 3200, 128>}, {pipeline_mode = #tpu.pipeline_mode<synchronous>, transform_indices = @transform_3, window_bounds = array<i64: 1, 128>}, {pipeline_mode = #tpu.pipeline_mode<synchronous>, transform_indices = @transform_4, window_bounds = array<i64: 1, 128>}, {pipeline_mode = #tpu.pipeline_mode<synchronous>, transform_indices = @transform_5, window_bounds = array<i64: 1, 128>}, {pipeline_mode = #tpu.pipeline_mode<synchronous>, transform_indices = @transform_6, window_bounds = array<i64: 128, 128>}, {transform_indices = @transform_7, window_bounds = array<i64: 3200, 128>}]} {
    %broadcast_in_dim3A = arith.constant 1.000000e+00 : bf16
    %broadcast_in_dim3A_0 = vector.broadcast %broadcast_in_dim3A : bf16 to vector<1x128xbf16>
    %get3A = arith.constant 0 : index
    %get3A_1 = arith.constant 0 : index
    %get3A_2 = vector.load %arg2[%get3A, %get3A_1] : memref<1x3200xbf16, #tpu.memory_space<vmem>>, vector<1x3200xbf16>
    %dot_general3A = arith.constant dense<0.000000e+00> : vector<3200x128xf32>
    %dot_general3A_3 = tpu.matmul %get3A_2, %broadcast_in_dim3A_0, %dot_general3A {dimension_numbers = #tpu.dot_dimension_numbers<[0], [0], [1], [1], [0, 1, 1, 1], [], []>, transpose_lhs_hint = false} : vector<1x3200xbf16>, vector<1x128xbf16>, vector<3200x128xf32> -> vector<3200x128xf32>
    %get3A_4 = arith.constant 0 : index
    %get3A_5 = arith.constant 0 : index
    %get3A_6 = vector.load %arg1[%get3A_4, %get3A_5] : memref<3200x128xf32, #tpu.memory_space<vmem>>, vector<3200x128xf32>
    %get3A_7 = arith.constant 0 : index
    %get3A_8 = arith.constant 0 : index
    %get3A_9 = vector.load %arg3[%get3A_7, %get3A_8] : memref<3200x128xf32, #tpu.memory_space<vmem>>, vector<3200x128xf32>
    %add3A = arith.addf %get3A_6, %get3A_9 : vector<3200x128xf32>
    %get3A_10 = arith.constant 0 : index
    %get3A_11 = arith.constant 0 : index
    %get3A_12 = vector.load %arg4[%get3A_10, %get3A_11] : memref<1x128xf32, #tpu.memory_space<vmem>>, vector<1x128xf32>
    %mul3A = vector.broadcast %get3A_12 : vector<1x128xf32> to vector<3200x128xf32>
    %mul3A_13 = arith.mulf %dot_general3A_3, %mul3A : vector<3200x128xf32>
    %add3A_14 = arith.addf %add3A, %mul3A_13 : vector<3200x128xf32>
    %convert_element_type3A = arith.truncf %add3A_14 : vector<3200x128xf32> to vector<3200x128xbf16>
    %get3A_15 = arith.constant 0 : index
    %get3A_16 = arith.constant 0 : index
    %get3A_17 = vector.load %arg7[%get3A_15, %get3A_16] : memref<128x128xbf16, #tpu.memory_space<vmem>>, vector<128x128xbf16>
    %dot_general3A_18 = arith.constant dense<0.000000e+00> : vector<3200x128xf32>
    %dot_general3A_19 = tpu.matmul %convert_element_type3A, %get3A_17, %dot_general3A_18 {dimension_numbers = #tpu.dot_dimension_numbers<[1], [0], [0], [1], [0, 0, 1, 1], [], []>, transpose_lhs_hint = false} : vector<3200x128xbf16>, vector<128x128xbf16>, vector<3200x128xf32> -> vector<3200x128xf32>
    %mul3A_20 = arith.mulf %convert_element_type3A, %convert_element_type3A : vector<3200x128xbf16>
    %dot_general3A_21 = arith.constant dense<0.000000e+00> : vector<3200x128xf32>
    %dot_general3A_22 = tpu.matmul %mul3A_20, %get3A_17, %dot_general3A_21 {dimension_numbers = #tpu.dot_dimension_numbers<[1], [0], [0], [1], [0, 0, 1, 1], [], []>, transpose_lhs_hint = false} : vector<3200x128xbf16>, vector<128x128xbf16>, vector<3200x128xf32> -> vector<3200x128xf32>
    %mul3A_23 = arith.mulf %dot_general3A_19, %dot_general3A_19 : vector<3200x128xf32>
    %sub3A = arith.subf %dot_general3A_22, %mul3A_23 : vector<3200x128xf32>
    %add3A_24 = arith.constant 9.99999974E-6 : f32
    %add3A_25 = vector.broadcast %add3A_24 : f32 to vector<3200x128xf32>
    %add3A_26 = arith.addf %sub3A, %add3A_25 : vector<3200x128xf32>
    %rsqrt3A = math.rsqrt %add3A_26 : vector<3200x128xf32>
    %sub3A_27 = arith.subf %add3A_14, %dot_general3A_19 : vector<3200x128xf32>
    %mul3A_28 = arith.mulf %sub3A_27, %rsqrt3A : vector<3200x128xf32>
    %get3A_29 = arith.constant 0 : index
    %get3A_30 = arith.constant 0 : index
    %get3A_31 = vector.load %arg5[%get3A_29, %get3A_30] : memref<1x128xf32, #tpu.memory_space<vmem>>, vector<1x128xf32>
    %mul3A_32 = vector.broadcast %get3A_31 : vector<1x128xf32> to vector<3200x128xf32>
    %mul3A_33 = arith.mulf %mul3A_28, %mul3A_32 : vector<3200x128xf32>
    %get3A_34 = arith.constant 0 : index
    %get3A_35 = arith.constant 0 : index
    %get3A_36 = vector.load %arg6[%get3A_34, %get3A_35] : memref<1x128xf32, #tpu.memory_space<vmem>>, vector<1x128xf32>
    %add3A_37 = vector.broadcast %get3A_36 : vector<1x128xf32> to vector<3200x128xf32>
    %add3A_38 = arith.addf %mul3A_33, %add3A_37 : vector<3200x128xf32>
    %swap3A = arith.constant 0 : index
    %swap3A_39 = arith.constant 0 : index
    %swap3A_40 = vector.load %arg8[%swap3A, %swap3A_39] : memref<3200x128xf32, #tpu.memory_space<vmem>>, vector<3200x128xf32>
    tpu.vector_store %arg8[%swap3A, %swap3A_39], %add3A_38 {strides = array<i32>} : memref<3200x128xf32, #tpu.memory_space<vmem>>, vector<3200x128xf32>,
    return
  }
  func.func @transform_0(%arg0: i32) -> (i32, i32) {
    %c0_i32 = arith.constant 0 : i32
    %c0_i32_0 = arith.constant 0 : i32
    return %arg0, %c0_i32 : i32, i32
  }
  func.func @transform_1(%arg0: i32) -> (i32, i32) {
    %c0_i32 = arith.constant 0 : i32
    %c0_i32_0 = arith.constant 0 : i32
    return %c0_i32, %arg0 : i32, i32
  }
  func.func @transform_2(%arg0: i32) -> (i32, i32) {
    %c0_i32 = arith.constant 0 : i32
    %c0_i32_0 = arith.constant 0 : i32
    %c0_i32_1 = arith.constant 0 : i32
    return %c0_i32, %c0_i32_0 : i32, i32
  }
  func.func @transform_3(%arg0: i32) -> (i32, i32) {
    %c0_i32 = arith.constant 0 : i32
    %c0_i32_0 = arith.constant 0 : i32
    %c0_i32_1 = arith.constant 0 : i32
    return %c0_i32, %c0_i32_0 : i32, i32
  }
  func.func @transform_4(%arg0: i32) -> (i32, i32) {
    %c0_i32 = arith.constant 0 : i32
    %c0_i32_0 = arith.constant 0 : i32
    %c0_i32_1 = arith.constant 0 : i32
    return %c0_i32, %c0_i32_0 : i32, i32
  }
  func.func @transform_5(%arg0: i32) -> (i32, i32) {
    %c0_i32 = arith.constant 0 : i32
    %c0_i32_0 = arith.constant 0 : i32
    %c0_i32_1 = arith.constant 0 : i32
    return %c0_i32, %c0_i32_0 : i32, i32
  }
  func.func @transform_6(%arg0: i32) -> (i32, i32) {
    %c0_i32 = arith.constant 0 : i32
    %c0_i32_0 = arith.constant 0 : i32
    %c0_i32_1 = arith.constant 0 : i32
    return %c0_i32, %c0_i32_0 : i32, i32
  }
  func.func @transform_7(%arg0: i32) -> (i32, i32) {
    %c0_i32 = arith.constant 0 : i32
    %c0_i32_0 = arith.constant 0 : i32
    return %arg0, %c0_i32 : i32, i32
  }
}

</mosaic_0001>

<sc_bundles>
// kernel: kernel.4.cloned.1.call-start
scs
__scs_entry_jumppad:
0x0: {  	(pc) =	sbr.rel $0x88, $3  }
0x1: {  	(tag) =	ssettag $0x0;
	lr =	simm.s32 $0x1  }
0x2: {  	[smem:$0x3F9A] =	sst lr;
	_ =	strace $0xD0000000  }
0x3: {  	_ = 	snop  }
0x4: {  	_ = 	snop  }
0x5: {  	_ = 	snop  }
0x6: {  	_ = 	snop  }
0x7: {  	_ = 	snop  }
__scs_overlays_trampoline_lowered:
0x8: {  	[smem:$0x3FA9] =	sst s0  }
0x9: {  	[smem:$0x3FAA] =	sst s1  }
0xa: {  	[smem:$0x3FAB] =	sst s2  }
0xb: {  	[smem:$0x3FAC] =	sst s3  }
0xc: {  	[smem:$0x3FAD] =	sst s4  }
0xd: {  	[smem:$0x3FAE] =	sst s5  }
0xe: {  	[smem:$0x3FAF] =	sst s6  }
0xf: {  	[smem:$0x3FB0] =	sst s7  }
0x10: {  	[smem:$0x3FB1] =	sst s8  }
0x11: {  	[smem:$0x3FB2] =	sst s9;
	s0 =	simm.s32 @!p0 $0x0  }
0x12: {  	s1 =	sld [smem:$0x3F98];
	s0 =	simm.s32 @p0 $0x1  }
0x13: {  	[smem:$0x3FB3] =	sst s0;
	s0 =	simm.s32 @!p1 $0x0  }
0x14: {  	s2 =	sld [smem:$0x3F97];
	s0 =	simm.s32 @p1 $0x1  }
0x15: {  	[smem:$0x3FB4] =	sst s0;
	s0 =	simm.s32 @!p2 $0x0  }
0x16: {  	s3 =	sld [smem:$0x3FDB];
	s0 =	simm.s32 @p2 $0x1  }
0x17: {  	s4 =	simm.s32 $0x1BF5;
	[smem:$0x3FB6] =	sst s0  }
0x18: {  	s0 =	sld [smem:$0x3F99];
	_ =	swait.ge [sflag:s4], $0x0  }
0x19: {  	s7 =	sld [smem:$0x3F9A]  }
0x1a: {  	s8 =	sadd.s32 $0xFFFFE003, lr  }
0x1b: {  	s9 =	sadd.s32 $0xFFFFFEF7, lr;
	s5 =	simm.s32 $0xFFFFFFFF;
	p2 =	slt.u32 s8, $0xFFFFF086  }
0x1c: {  	p1 =	slt.u32 s9, $0xF7A;
	s5 =	simm.s32 @!p2 $0x0  }
0x1d: {  	s5 =	simm.s32 @p1 $0x1;
	p0 =	seq.s32 s7, s2  }
0x1e: {  	s7 =	smul.u32 @!p0 $0xF7A, s2;
	p2 =	seq.s32 @!p0 s5, $0x0  }
0x1f: {  	s9 =	smul.u32 $0xF7A, s1;
	s8 =	simm.s32 @!p0 $0x1BF5;
	p2 =	por !p2, p0  }
0x20: {  	[sflag:s8] =	ssyncset.s32 @!p0 $0xFFFFF086;
	s6 =	sadd.s32 @!p0 s3, s7;
	s7 =	simm.s32 @!p0 $0x108  }
0x21: {  	s3 =	sadd.s32 s3, s9;
	s6 =	sadd.s32 @!p0 $0x88, s6;
	s7 =	simm.s32 @p2 $0x1082  }
0x22: {  	[simem:s7], [sflag:s8] =	dma.local @!p0 [hbm:s6], $0xF7A  }
0x23: {  	s9 =	sor.u32 $0xD0000000, s2;
	s6 =	simm.s32 $0x108;
	_ =	swait.ge @!p0 [sflag:s8], $0x0  }
0x24: {  	s3 =	sadd.s32 $0x88, s3;
	s6 =	simm.s32 @!p1 $0x1082;
	[sflag:s4] =	ssyncset.s32 $0xFFFFF086  }
0x25: {  	[simem:s6], [sflag:s4] =	dma.local [hbm:s3], $0xF7A  }
0x26: {  	[smem:$0x3F9A] =	sst s1;
	(tag) =	ssettag s2;
	_ =	strace s9  }
0x27: {  	s1 =	sld [smem:$0x3FAA]  }
0x28: {  	s2 =	sld [smem:$0x3FAB]  }
0x29: {  	s4 =	sld [smem:$0x3FAD]  }
0x2a: {  	p0 =	seq.s32 s5, $0x0;
	s5 =	sld [smem:$0x3FAE]  }
0x2b: {  	s6 =	sld [smem:$0x3FAF]  }
0x2c: {  	s7 =	sld [smem:$0x3FB0]  }
0x2d: {  	s3 =	simm.s32 $0x108;
	s8 =	sld [smem:$0x3FB1]  }
0x2e: {  	s3 =	simm.s32 @!p0 $0x1082;
	s9 =	sld [smem:$0x3FB2]  }
0x2f: {  	lr =	sadd.s32 s0, s3;
	s0 =	sld [smem:$0x3FA9]  }
0x30: {  	s3 =	sld [smem:$0x3FAC]  }
0x31: {  	[smem:$0x3FB5] =	sst s10  }
0x32: {  	s10 =	sld [smem:$0x3FB3];
	_ =	sdelay $0x3  }
0x33: {  	p0 =	seq.s32 s10, $0x1;
	s10 =	sld [smem:$0x3FB5];
	_ =	sdelay $0x3  }
0x34: {  	[smem:$0x3FB5] =	sst s10  }
0x35: {  	s10 =	sld [smem:$0x3FB4];
	_ =	sdelay $0x3  }
0x36: {  	p1 =	seq.s32 s10, $0x1;
	s10 =	sld [smem:$0x3FB5];
	_ =	sdelay $0x3  }
0x37: {  	[smem:$0x3FB5] =	sst s10  }
0x38: {  	s10 =	sld [smem:$0x3FB6]  }
0x39: {  	_ = 	snop;
	(pc) =	sbr.ind lr, $3  }
0x3a: {  	_ = 	snop  }
0x3b: {  	_ = 	snop  }
0x3c: {  	p2 =	seq.s32 s10, $0x1;
	s10 =	sld [smem:$0x3FB5]  }
0x3d: {  	_ =	shalt  }
0x3e: {  	_ =	shalt  }
0x3f: {  	_ =	shalt  }
0x40: {  	_ =	shalt  }
0x41: {  	_ =	shalt  }
0x42: {  	_ =	shalt  }
0x43: {  	_ =	shalt  }
0x44: {  	_ =	shalt  }
0x45: {  	_ =	shalt  }
0x46: {  	_ =	shalt  }
0x47: {  	_ =	shalt  }
0x48: {  	_ =	shalt  }
0x49: {  	_ =	shalt  }
0x4a: {  	_ =	shalt  }
0x4b: {  	_ =	shalt  }
0x4c: {  	_ =	shalt  }
0x4d: {  	_ =	shalt  }
0x4e: {  	_ =	shalt  }
0x4f: {  	_ =	shalt  }
0x50: {  	_ =	shalt  }
0x51: {  	_ =	shalt  }
0x52: {  	_ =	shalt  }
0x53: {  	_ =	shalt  }
0x54: {  	_ =	shalt  }
0x55: {  	_ =	shalt  }
0x56: {  	_ =	shalt  }
0x57: {  	_ =	shalt  }
0x58: {  	_ =	shalt  }
0x59: {  	_ =	shalt  }
0x5a: {  	_ =	shalt  }
0x5b: {  	_ =	shalt  }
0x5c: {  	_ =	shalt  }
0x5d: {  	_ =	shalt  }
0x5e: {  	_ =	shalt  }
0x5f: {  	_ =	shalt  }
0x60: {  	_ =	shalt  }
0x61: {  	_ =	shalt  }
0x62: {  	_ =	shalt  }
0x63: {  	_ =	shalt  }
0x64: {  	_ =	shalt  }
0x65: {  	_ =	shalt  }
0x66: {  	_ =	shalt  }
0x67: {  	_ =	shalt  }
0x68: {  	_ =	shalt  }
0x69: {  	_ =	shalt  }
0x6a: {  	_ =	shalt  }
0x6b: {  	_ =	shalt  }
0x6c: {  	_ =	shalt  }
0x6d: {  	_ =	shalt  }
0x6e: {  	_ =	shalt  }
0x6f: {  	_ =	shalt  }
0x70: {  	_ =	shalt  }
0x71: {  	_ =	shalt  }
0x72: {  	_ =	shalt  }
0x73: {  	_ =	shalt  }
0x74: {  	_ =	shalt  }
0x75: {  	_ =	shalt  }
0x76: {  	_ =	shalt  }
0x77: {  	_ =	shalt  }
0x78: {  	_ =	shalt  }
0x79: {  	_ =	shalt  }
0x7a: {  	_ =	shalt  }
0x7b: {  	_ =	shalt  }
0x7c: {  	_ =	shalt  }
0x7d: {  	_ =	shalt  }
0x7e: {  	_ =	shalt  }
0x7f: {  	_ =	shalt  }
0x80: {  	_ =	shalt  }
0x81: {  	_ =	shalt  }
0x82: {  	_ =	shalt  }
0x83: {  	_ =	shalt  }
0x84: {  	_ =	shalt  }
0x85: {  	_ =	shalt  }
0x86: {  	_ =	shalt  }
0x87: {  	_ =	shalt  }
.Lfunc_end0:
.L_simem_size_0:
called_computation_lowered:
.L_overlay_start_0:
0x88: {  	s2 =	sld [smem:$0x3FD9]  }
0x89: {  	s3 =	sld [smem:$0x3FFE];
	_ =	sdelay $0x1  }
0x8a: {  	s1 =	srdreg.scid  }
0x8b: {  	s0 =	sand.u32 $0x1, s1  }
0x8c: {  	s17 =	sshll.u32 s0, $0xA;
	s2 =	sadd.s32 s3, s2  }
0x8d: {  	s2 =	sadd.s32 s2, s17  }
0x8e: {  	[smem:$0x3FC1] =	sst s2  }
0x8f: {  	_ = 	snop  }
0x90: {  	s2 =	sld [smem:$0x3FC7]  }
0x91: {  	s18 =	sld [smem:$0x3FD0];
	(tm) =	ssettm $0x1  }
0x92: {  	s4 =	sld [smem:$0x3FFB];
	_ =	sdelay $0x3  }
0x93: {  	_ =	strace s4  }
0x94: {  	s4 =	sld [smem:$0x3FFC];
	_ =	sdelay $0x3  }
0x95: {  	_ =	strace s4  }
0x96: {  	s4 =	sld [smem:$0x3FFD];
	_ =	sdelay $0x3  }
0x97: {  	_ =	strace s4  }
0x98: {  	_ =	strace $0x8FFFFFFF  }
0x99: {  	s19 =	sld [smem:$0x3FDB];
	_ =	sdelay $0x1  }
0x9a: {  	s5 =	simm.s32 $_scs_section_size  }
0x9b: {  	s6 =	simm.s32 $_size__tile_overlayer_lowered;
	s7 =	simm.s32 $_tile_overlayer_lowered  }
0x9c: {  	s22 =	simm.s32 $0x1BFF;
	s21 =	sshll.u32 s7, $0x1;
	s4 =	sadd.s32 s5, s19  }
0x9d: {  	s8 =	simm.s32 $0x0;
	s20 =	sshll.u32 s6, $0x1;
	s6 =	sadd.s32 s21, s4  }
0x9e: {  	[timem:s8], [sflag:s22] =	dma.local [hbm:s6], s20  }
0x9f: {  	_ =	swait.ge [sflag:s22], s20  }
0xa0: {  	s5 =	ssub.s32 $0x0, s20;
	[sflag:s22] =	ssyncset.done $0x0  }
0xa1: {  	[sflag:s22] =	ssyncadd.s32 s5;
	_ =	sdelay $0x1  }
0xa2: {  	s23 =	simm.s32 $0x1B8B  }
0xa3: {  	_ =	swait.ge [sflag:s23], $0x1  }
0xa4: {  	[sflag:s23] =	ssyncset.done $0x0  }
0xa5: {  	s25 =	simm.s32 $0x1B8E;
	s24 =	sld [smem:$0x3FFE];
	[sflag:s23] =	ssyncadd.s32 $0xFFFFFFFF  }
0xa6: {  	s26 =	simm.s32 $execute0_lowered;
	[smem:$0x3FD2] =	sst s25  }
0xa7: {  	s6 =	sshll.u32 s26, $0x1;
	_ =	strace $0x80000046;
	[dreg:$0x1] =	wrdreg $0xFFFFFFFF  }
0xa8: {  	s28 =	simm.s32 $_size_execute0_lowered;
	s4 =	sadd.s32 s4, s6;
	[dreg:$0x0] =	wrdreg $0x0  }
0xa9: {  	s6 =	sshll.u32 s28, $0x1;
	[dreg:$0x2] =	wrdreg s4  }
0xaa: {  	[dreg:$0x3] =	wrdreg s6  }
0xab: {  	[dreg:$0x4] =	wrdreg $0xC0  }
0xac: {  	_ =	task [dreg:s8], $0x5FFFF  }
0xad: {  	[dreg:$0x1] =	wrdreg $0xFFFFFFFF  }
0xae: {  	[dreg:$0x0] =	wrdreg $0x60  }
0xaf: {  	[dreg:$0x2] =	wrdreg s2  }
0xb0: {  	[dreg:$0x3] =	wrdreg s18  }
0xb1: {  	[dreg:$0x4] =	wrdreg s24  }
0xb2: {  	[dreg:$0x5] =	wrdreg $0x9  }
0xb3: {  	_ =	task.clear_ibuf [dreg:s8], $0x6FFFF;
	_ =	strace $0x90000046  }
0xb4: {  	s29 =	simm.s32 $0x9;
	_ =	strace $0x80000048  }
0xb5: {  	_ =	swait.ge [sflag:s29], $0x1  }
0xb6: {  	[sflag:s29] =	ssyncadd.s32 $0xFFFFFFFF  }
0xb7: {  	_ =	strace $0x90000048  }
0xb8: {  	_ =	sfence  }
0xb9: {  	s30 =	sld [smem:$0x0];
	_ =	sdelay $0x2  }
0xba: {  	s31 =	sshll.u32 s1, $0xD;
	s1 =	sshrl.u32 s1, $0x2  }
0xbb: {  	s3 =	sand.u32 $0x4000, s31;
	s1 =	sadd.s32 s1, s30  }
0xbc: {  	s0 =	sor.u32 s3, s0;
	s1 =	sshll.u32 s1, $0x11  }
0xbd: {  	s0 =	sor.u32 s1, s0  }
0xbe: {  	s0 =	sadd.s32 $0x8F2B, s0  }
0xbf: {  	[sflag:s0] =	ssyncadd.remote.s32 $0x1  }
0xc0: {  	_ =	sfence.sel $0xFFFF  }
0xc1: {  	[dreg:$0x0] =	wrdreg $0xFFFFFFFF;
	(pc) =	sbr.abs _section_cstart, $3  }
0xc2: {  	[dreg:$0x1] =	wrdreg $0xFFFFFFFF  }
0xc3: {  	_ =	task.clear_ibuf [dreg:s8], $0x2FFFF;
	_ =	strace $0x9FFFFFFF  }
0xc4: {  	(tm) =	ssettm $0x7FFFFFFF  }
0xc5: {  	_ =	shalt  }
tec
execute0_lowered:
.L_overlay_start_1:
0x0: {  	(tag) =	ssettag $0x1  }
0x1: {  	s1 =	rddreg [dreg:$0x0]  }
0x2: {  	s4 =	rddreg [dreg:$0x1];
	s2 =	srdreg.scid  }
0x3: {  	s0 =	stileid.u32;
	s5 =	rddreg [dreg:$0x2];
	s3 =	simm.s32 $0x0  }
0x4: {  	s14 =	simm.s32 $0x1C00;
	s15 =	simm.s32 $0x5C00;
	s16 =	simm.s32 $0x100  }
0x5: {  	s17 =	simm.s32 $0x9C00;
	s18 =	simm.s32 $0x180;
	s19 =	simm.s32 $0xDC00  }
0x6: {  	s20 =	simm.s32 $0x200;
	s21 =	simm.s32 $0x11C00;
	s22 =	simm.s32 $0x1  }
0x7: {  	s23 =	simm.s32 $0x2;
	s8 =	sand.u32 $0x1, s2;
	s6 =	sshll.u32 s0, $0x1  }
0x8: {  	s2 =	rddreg [dreg:$0x3];
	s31 =	smul.u32 $0x32000, s0;
	s6 =	sor.u32 s8, s6  }
0x9: {  	s24 =	simm.s32 $0x0;
	[smem:$0x7FF] =	sst s3;
	s7 =	smul.u32 $0x380, s6  }
0xa: {  	s11 =	sadd.s32 $0xE00, s5;
	s9 =	ssub.s32 $0x2, s8;
	s10 =	smul.u32 $0xC8000, s6  }
0xb: {  	_ =	strace $0x80000047;
	s28 =	sshrl.u32 s9, $0x1;
	s6 =	smul.u32 $0x19000, s6  }
0xc: {  	s13 =	smul.u32 $0x19000, s8;
	s12 =	ssub.s32 s9, s28;
	s4 =	sadd.s32 s4, s7  }
0xd: {  	s29 =	sshrl.u32 s10, $0x3;
	s5 =	sadd.s32 s11, s6;
	s10 =	smax.u32 s12, $0x1  }
0xe: {  	s12 =	simm.s32 $0x3;
	s30 =	sadd.s32 s11, s29;
	s6 =	sadd.s32 $0x800, s5  }
0xf: {  	s11 =	sadd.s32 s31, s11;
	s7 =	sadd.s32 $0x1000, s30;
	s8 =	sadd.s32 $0x1800, s30  }
0x10: {  	s9 =	sadd.s32 $0x2000, s30;
	s11 =	sadd.s32 s13, s11;
	s13 =	simm.s32 $0x80  }
.LBB2_1:
0x11: {  	[tilespmem:s3], [sflag:$0x3] =	stream.linear.gather [hbm4b:s4+s3], $0x1900, $0x38;
	[tilespmem:$0x15C00] =	vst v63  }
0x12: {  	_ =	swait.ge [sflag:s12], $0x1900  }
0x13: {  	[sflag:s12] =	ssyncset.done $0x0  }
0x14: {  	[sflag:s12] =	ssyncadd.s32 $0xFFFFE700  }
0x15: {  	[tilespmem:s14], [sflag:$0x1] =	stream.indirect.gather [hbm4b:s1+s13], $0x80, s3, s13, $0xb8;
	[tilespmem:$0x15C00] =	vst v63  }
0x16: {  	_ = 	snop  }
0x17: {  	[tilespmem:s15], [sflag:$0x1] =	stream.indirect.gather [hbm4b:s1+s13], $0x80, s13, s13, $0xb8;
	[tilespmem:$0x15C00] =	vst v63  }
0x18: {  	_ = 	snop  }
0x19: {  	[tilespmem:s17], [sflag:$0x1] =	stream.indirect.gather [hbm4b:s1+s13], $0x80, s16, s13, $0xb8;
	[tilespmem:$0x15C00] =	vst v63  }
0x1a: {  	_ = 	snop  }
0x1b: {  	[tilespmem:s19], [sflag:$0x1] =	stream.indirect.gather [hbm4b:s1+s13], $0x80, s18, s13, $0xb8;
	[tilespmem:$0x15C00] =	vst v63  }
0x1c: {  	_ = 	snop  }
0x1d: {  	[tilespmem:s21], [sflag:$0x1] =	stream.indirect.gather [hbm4b:s1+s13], $0x80, s20, s13, $0xb8;
	[tilespmem:$0x15C00] =	vst v63  }
0x1e: {  	_ =	swait.ge [sflag:s22], $0x4000  }
0x1f: {  	[sflag:s22] =	ssyncset.done $0x0  }
0x20: {  	[sflag:s22] =	ssyncadd.s32 $0xFFFFC000  }
0x21: {  	[hbm4b:s5+s3] =	stream.linear.scatter [tilespmem:s14], [sflag:$0x2], $0x4000, $0x38;
	[tilespmem:$0x15C00] =	vst v63  }
0x22: {  	_ =	swait.ge [sflag:s22], $0x4000  }
0x23: {  	[sflag:s22] =	ssyncset.done $0x0  }
0x24: {  	[sflag:s22] =	ssyncadd.s32 $0xFFFFC000  }
0x25: {  	[hbm4b:s6+s3] =	stream.linear.scatter [tilespmem:s15], [sflag:$0x2], $0x4000, $0x38;
	[tilespmem:$0x15C00] =	vst v63  }
0x26: {  	_ =	swait.ge [sflag:s22], $0x4000  }
0x27: {  	[sflag:s22] =	ssyncset.done $0x0  }
0x28: {  	[sflag:s22] =	ssyncadd.s32 $0xFFFFC000  }
0x29: {  	[hbm4b:s7+s3] =	stream.linear.scatter [tilespmem:s17], [sflag:$0x2], $0x4000, $0x38;
	[tilespmem:$0x15C00] =	vst v63  }
0x2a: {  	_ =	swait.ge [sflag:s22], $0x4000  }
0x2b: {  	[sflag:s22] =	ssyncset.done $0x0  }
0x2c: {  	[sflag:s22] =	ssyncadd.s32 $0xFFFFC000  }
0x2d: {  	[hbm4b:s8+s3] =	stream.linear.scatter [tilespmem:s19], [sflag:$0x2], $0x4000, $0x38;
	[tilespmem:$0x15C00] =	vst v63  }
0x2e: {  	_ =	swait.ge [sflag:s22], $0x4000  }
0x2f: {  	[sflag:s22] =	ssyncset.done $0x0  }
0x30: {  	[sflag:s22] =	ssyncadd.s32 $0xFFFFC000  }
0x31: {  	[hbm4b:s9+s3] =	stream.linear.scatter [tilespmem:s21], [sflag:$0x2], $0x4000, $0x38;
	[tilespmem:$0x15C00] =	vst v63  }
0x32: {  	_ =	swait.ge [sflag:s23], $0x4000  }
0x33: {  	[sflag:s23] =	ssyncset.done $0x0  }
0x34: {  	s25 =	simm.s32 $0x280;
	[sflag:s23] =	ssyncadd.s32 $0xFFFFC000  }
0x35: {  	[tilespmem:s14], [sflag:$0x1] =	stream.indirect.gather [hbm4b:s1+s13], $0x80, s25, s13, $0xb8;
	[tilespmem:$0x15C00] =	vst v63  }
0x36: {  	_ =	swait.ge [sflag:s23], $0x4000  }
0x37: {  	[sflag:s23] =	ssyncset.done $0x0  }
0x38: {  	s31 =	simm.s32 $0x300;
	[sflag:s23] =	ssyncadd.s32 $0xFFFFC000  }
0x39: {  	[tilespmem:s15], [sflag:$0x1] =	stream.indirect.gather [hbm4b:s1+s13], $0x80, s31, s13, $0xb8;
	[tilespmem:$0x15C00] =	vst v63  }
0x3a: {  	_ =	swait.ge [sflag:s23], $0x4000  }
0x3b: {  	[sflag:s23] =	ssyncset.done $0x0  }
0x3c: {  	s26 =	simm.s32 $0x380;
	[sflag:s23] =	ssyncadd.s32 $0xFFFFC000  }
0x3d: {  	[tilespmem:s17], [sflag:$0x1] =	stream.indirect.gather [hbm4b:s1+s13], $0x80, s26, s13, $0xb8;
	[tilespmem:$0x15C00] =	vst v63  }
0x3e: {  	_ =	swait.ge [sflag:s23], $0x4000  }
0x3f: {  	[sflag:s23] =	ssyncset.done $0x0  }
0x40: {  	s29 =	simm.s32 $0x400;
	[sflag:s23] =	ssyncadd.s32 $0xFFFFC000  }
0x41: {  	[tilespmem:s19], [sflag:$0x1] =	stream.indirect.gather [hbm4b:s1+s13], $0x80, s29, s13, $0xb8;
	[tilespmem:$0x15C00] =	vst v63  }
0x42: {  	_ =	swait.ge [sflag:s23], $0x4000  }
0x43: {  	[sflag:s23] =	ssyncset.done $0x0  }
0x44: {  	s30 =	simm.s32 $0x480;
	[sflag:s23] =	ssyncadd.s32 $0xFFFFC000  }
0x45: {  	[tilespmem:s21], [sflag:$0x1] =	stream.indirect.gather [hbm4b:s1+s13], $0x80, s30, s13, $0xb8;
	[tilespmem:$0x15C00] =	vst v63  }
0x46: {  	_ =	swait.ge [sflag:s22], $0x4000  }
0x47: {  	s26 =	sadd.s32 $0x0, s11;
	[sflag:s22] =	ssyncset.done $0x0  }
0x48: {  	s31 =	sadd.s32 $0x2800, s26;
	[sflag:s22] =	ssyncadd.s32 $0xFFFFC000  }
0x49: {  	[hbm4b:s31+s3] =	stream.linear.scatter [tilespmem:s14], [sflag:$0x2], $0x4000, $0x38;
	[tilespmem:$0x15C00] =	vst v63  }
0x4a: {  	_ =	swait.ge [sflag:s22], $0x4000  }
0x4b: {  	[sflag:s22] =	ssyncset.done $0x0  }
0x4c: {  	s29 =	sadd.s32 $0x3000, s26;
	[sflag:s22] =	ssyncadd.s32 $0xFFFFC000  }
0x4d: {  	[hbm4b:s29+s3] =	stream.linear.scatter [tilespmem:s15], [sflag:$0x2], $0x4000, $0x38;
	[tilespmem:$0x15C00] =	vst v63  }
0x4e: {  	_ =	swait.ge [sflag:s22], $0x4000  }
0x4f: {  	[sflag:s22] =	ssyncset.done $0x0  }
0x50: {  	s30 =	sadd.s32 $0x3800, s26;
	[sflag:s22] =	ssyncadd.s32 $0xFFFFC000  }
0x51: {  	[hbm4b:s30+s3] =	stream.linear.scatter [tilespmem:s17], [sflag:$0x2], $0x4000, $0x38;
	[tilespmem:$0x15C00] =	vst v63  }
0x52: {  	_ =	swait.ge [sflag:s22], $0x4000  }
0x53: {  	[sflag:s22] =	ssyncset.done $0x0  }
0x54: {  	s31 =	sadd.s32 $0x4000, s26;
	[sflag:s22] =	ssyncadd.s32 $0xFFFFC000  }
0x55: {  	[hbm4b:s31+s3] =	stream.linear.scatter [tilespmem:s19], [sflag:$0x2], $0x4000, $0x38;
	[tilespmem:$0x15C00] =	vst v63  }
0x56: {  	_ =	swait.ge [sflag:s22], $0x4000  }
0x57: {  	s25 =	simm.s32 $0x2800;
	[sflag:s22] =	ssyncset.done $0x0  }
0x58: {  	s28 =	sadd.s32 $0x4800, s26;
	s26 =	simm.s32 $0x700;
	[sflag:s22] =	ssyncadd.s32 $0xFFFFC000  }
.LBB2_2:
0x59: {  	[hbm4b:s28+s3] =	stream.linear.scatter [tilespmem:s21], [sflag:$0x2], $0x4000, $0x38;
	[tilespmem:$0x15C00] =	vst v63  }
0x5a: {  	s28 =	smov.u32 s25  }
0x5b: {  	p0 =	sne.s32 s25, $0x14000;
	s25 =	sadd.s32 $0x2800, s25;
	_ =	swait.ge [sflag:s23], $0x4000  }
0x5c: {  	[sflag:s23] =	ssyncset.done $0x0  }
0x5d: {  	s29 =	sadd.s32 $0xFFFFFE00, s26;
	[sflag:s23] =	ssyncadd.s32 $0xFFFFC000  }
0x5e: {  	[tilespmem:s14], [sflag:$0x1] =	stream.indirect.gather [hbm4b:s1+s13], $0x80, s29, s13, $0xb8;
	[tilespmem:$0x15C00] =	vst v63  }
0x5f: {  	_ =	swait.ge [sflag:s23], $0x4000  }
0x60: {  	[sflag:s23] =	ssyncset.done $0x0  }
0x61: {  	s29 =	sadd.s32 $0xFFFFFE80, s26;
	[sflag:s23] =	ssyncadd.s32 $0xFFFFC000  }
0x62: {  	[tilespmem:s15], [sflag:$0x1] =	stream.indirect.gather [hbm4b:s1+s13], $0x80, s29, s13, $0xb8;
	[tilespmem:$0x15C00] =	vst v63  }
0x63: {  	_ =	swait.ge [sflag:s23], $0x4000  }
0x64: {  	[sflag:s23] =	ssyncset.done $0x0  }
0x65: {  	s29 =	sadd.s32 $0xFFFFFF00, s26;
	[sflag:s23] =	ssyncadd.s32 $0xFFFFC000  }
0x66: {  	[tilespmem:s17], [sflag:$0x1] =	stream.indirect.gather [hbm4b:s1+s13], $0x80, s29, s13, $0xb8;
	[tilespmem:$0x15C00] =	vst v63  }
0x67: {  	_ =	swait.ge [sflag:s23], $0x4000  }
0x68: {  	[sflag:s23] =	ssyncset.done $0x0  }
0x69: {  	s29 =	sadd.s32 $0xFFFFFF80, s26;
	[sflag:s23] =	ssyncadd.s32 $0xFFFFC000  }
0x6a: {  	[tilespmem:s19], [sflag:$0x1] =	stream.indirect.gather [hbm4b:s1+s13], $0x80, s29, s13, $0xb8;
	[tilespmem:$0x15C00] =	vst v63  }
0x6b: {  	_ =	swait.ge [sflag:s23], $0x4000  }
0x6c: {  	[sflag:s23] =	ssyncset.done $0x0  }
0x6d: {  	[sflag:s23] =	ssyncadd.s32 $0xFFFFC000  }
0x6e: {  	[tilespmem:s21], [sflag:$0x1] =	stream.indirect.gather [hbm4b:s1+s13], $0x80, s26, s13, $0xb8;
	[tilespmem:$0x15C00] =	vst v63  }
0x6f: {  	_ =	swait.ge [sflag:s22], $0x4000  }
0x70: {  	s28 =	sadd.s32 s28, s11;
	[sflag:s22] =	ssyncset.done $0x0  }
0x71: {  	s29 =	sadd.s32 $0x2800, s28;
	[sflag:s22] =	ssyncadd.s32 $0xFFFFC000  }
0x72: {  	[hbm4b:s29+s3] =	stream.linear.scatter [tilespmem:s14], [sflag:$0x2], $0x4000, $0x38;
	[tilespmem:$0x15C00] =	vst v63  }
0x73: {  	_ =	swait.ge [sflag:s22], $0x4000  }
0x74: {  	[sflag:s22] =	ssyncset.done $0x0  }
0x75: {  	s29 =	sadd.s32 $0x3000, s28;
	[sflag:s22] =	ssyncadd.s32 $0xFFFFC000  }
0x76: {  	[hbm4b:s29+s3] =	stream.linear.scatter [tilespmem:s15], [sflag:$0x2], $0x4000, $0x38;
	[tilespmem:$0x15C00] =	vst v63  }
0x77: {  	_ =	swait.ge [sflag:s22], $0x4000  }
0x78: {  	[sflag:s22] =	ssyncset.done $0x0  }
0x79: {  	s29 =	sadd.s32 $0x3800, s28;
	[sflag:s22] =	ssyncadd.s32 $0xFFFFC000  }
0x7a: {  	[hbm4b:s29+s3] =	stream.linear.scatter [tilespmem:s17], [sflag:$0x2], $0x4000, $0x38;
	[tilespmem:$0x15C00] =	vst v63  }
0x7b: {  	_ =	swait.ge [sflag:s22], $0x4000  }
0x7c: {  	[sflag:s22] =	ssyncset.done $0x0  }
.Ltmp0:
0x7d: {  	s29 =	sadd.s32 $0x4000, s28;
	[sflag:s22] =	ssyncadd.s32 $0xFFFFC000;
	(pc) =	sbr.rel @p0 .LBB2_2-.Ltmp0, $4  }
0x7e: {  	[hbm4b:s29+s3] =	stream.linear.scatter [tilespmem:s19], [sflag:$0x2], $0x4000, $0x38;
	[tilespmem:$0x15C00] =	vst v63  }
0x7f: {  	_ =	swait.ge [sflag:s22], $0x4000  }
0x80: {  	[sflag:s22] =	ssyncset.done $0x0  }
0x81: {  	s26 =	sadd.s32 $0x280, s26;
	s28 =	sadd.s32 $0x4800, s28;
	[sflag:s22] =	ssyncadd.s32 $0xFFFFC000  }
0x82: {  	[hbm4b:s28+s3] =	stream.linear.scatter [tilespmem:s21], [sflag:$0x2], $0x4000, $0x38;
	[tilespmem:$0x15C00] =	vst v63  }
0x83: {  	_ =	swait.ge [sflag:s23], $0x4000  }
0x84: {  	[sflag:s23] =	ssyncset.done $0x0  }
0x85: {  	[sflag:s23] =	ssyncadd.s32 $0xFFFFC000  }
0x86: {  	_ =	swait.ge [sflag:s23], $0x4000  }
0x87: {  	[sflag:s23] =	ssyncset.done $0x0  }
0x88: {  	[sflag:s23] =	ssyncadd.s32 $0xFFFFC000  }
0x89: {  	_ =	swait.ge [sflag:s23], $0x4000  }
0x8a: {  	[sflag:s23] =	ssyncset.done $0x0  }
0x8b: {  	s24 =	sadd.s32 $0x1, s24;
	[sflag:s23] =	ssyncadd.s32 $0xFFFFC000  }
0x8c: {  	p0 =	sne.s32 s24, s10;
	_ =	swait.ge [sflag:s23], $0x4000  }
.Ltmp1:
0x8d: {  	[sflag:s23] =	ssyncset.done $0x0;
	(pc) =	sbr.rel @p0 .LBB2_1-.Ltmp1, $4  }
0x8e: {  	[sflag:s23] =	ssyncadd.s32 $0xFFFFC000  }
0x8f: {  	_ =	swait.ge [sflag:s23], $0x4000  }
0x90: {  	[sflag:s23] =	ssyncset.done $0x0  }
0x91: {  	[sflag:s23] =	ssyncadd.s32 $0xFFFFC000  }
0x92: {  	_ =	sfence.sel $0x180000  }
0x93: {  	[bflag:$0x0] =	sbarrier.arrive $0xFFFF  }
0x94: {  	p0 =	sne.s32 s0, $0x0;
	_ =	strace $0x90000047  }
0x95: {  	s0 =	sadd.s32 @!p0 $0x100000, s2;
	[bflag:$0x2] =	sbarrier.arrive $0xFFFF  }
0x96: {  	[sflag:s0] =	ssyncadd.tile.s32 @!p0 $0x1;
	_ =	shalt  }
.Lfunc_end2:
_tile_overlayer_lowered:
.L_overlay_start_2:
0x97: {  	(tag) =	ssettag $0x2  }
0x98: {  	s0 =	rddreg [dreg:$0x0];
	s2 =	stileid.u32  }
0x99: {  	s1 =	rddreg [dreg:$0x1];
	p0 =	sne.s32 s2, $0x0  }
0x9a: {  	s3 =	rddreg [dreg:$0x2];
	[bflag:$0x3] =	sbarrier.arrive $0xFFFF;
	s2 =	simm.s32 @!p0 $0x1C03  }
0x9b: {  	[timem:s3], [sflag:s2] =	dma.local @!p0 [hbm:s0], s1  }
0x9c: {  	s0 =	simm.s32 @!p0 $0x3  }
0x9d: {  	_ =	swait.ge @!p0 [sflag:s0], s1  }
0x9e: {  	s1 =	ssub.s32 @!p0 $0x0, s1;
	[sflag:s0] =	ssyncset.done @!p0 $0x0  }
0x9f: {  	[sflag:s0] =	ssyncadd.s32 @!p0 s1  }
0xa0: {  	[bflag:$0x3] =	sbarrier.arrive $0xFFFF  }
0xa1: {  	_ =	shalt  }

</sc_bundles>
